<compile_context>
chip_gen: v7x
topology: tpu7x:2x2x1
jax: 0.10.2.dev20260603
libtpu: 0.0.44.dev20260713+nightly
codegen_flags: <defaults>
</compile_context>

<pallas_src>
import functools

import jax
import jax.numpy as jnp
from jax import lax
from jax.experimental import pallas as pl
from jax.experimental.pallas import tpu as pltpu
from jax.experimental.pallas import tpu_sc as plsc

_IGNORE = -100
_LAMBDA = 0.5
_R = 1024


def _tail_part(hT, w2, b2c, t, keep):
    logitsT = lax.dot_general(w2, hT, (((0,), (0,)), ((), ())),
                              preferred_element_type=jnp.float32) + b2c
    C = logitsT.shape[0]

    m = jnp.max(logitsT, axis=0)
    lse = m + jnp.log(jnp.sum(jnp.exp(logitsT - m[None, :]), axis=0))
    iota_c = lax.broadcasted_iota(jnp.int32, logitsT.shape, 0)
    xt = jnp.sum(jnp.where(iota_c == t[None, :], logitsT, 0.0), axis=0)
    validf = (t != _IGNORE).astype(jnp.float32)
    nll_sum = jnp.sum((lse - xt) * validf)
    valid_cnt = jnp.sum(validf)

    pred = jnp.min(jnp.where(logitsT == m[None, :], iota_c, C), axis=0)
    keepb = keep > 0
    correct = jnp.sum(((pred == t) & keepb).astype(jnp.float32))
    mvalid_cnt = jnp.sum(keepb.astype(jnp.float32))

    rows = lax.broadcasted_iota(jnp.int32, (8, 128), 0)
    cols = lax.broadcasted_iota(jnp.int32, (8, 128), 1)
    r0 = rows == 0
    return (jnp.where(r0 & (cols == 0), nll_sum, 0.0)
            + jnp.where(r0 & (cols == 1), valid_cnt, 0.0)
            + jnp.where(r0 & (cols == 2), correct, 0.0)
            + jnp.where(r0 & (cols == 3), mvalid_cnt, 0.0))


def _tc_body(x_ref, w1_ref, b1_ref, w2_ref, b2_ref, st_ref, mv_ref,
             stc_ref, mvc_ref, out_ref, h_ref):
    i = pl.program_id(0)
    G = pl.num_programs(0)

    @pl.when(i == 0)
    def _():
        h_ref[...] = jnp.zeros_like(h_ref)
        out_ref[...] = jnp.zeros_like(out_ref)

    part = _tail_part(h_ref[...], w2_ref[...], b2_ref[...],
                      st_ref[0, 0, :], mv_ref[0, 0, :])
    gate = jnp.where(i > 0, 1.0, 0.0).astype(jnp.float32)
    out_ref[...] += part * gate

    h_ref[...] = jnp.tanh(
        lax.dot_general(w1_ref[...], x_ref[...], (((0,), (1,)), ((), ())),
                        preferred_element_type=jnp.float32)
        + b1_ref[...])

    @pl.when(i == G - 1)
    def _():
        out_ref[...] += _tail_part(h_ref[...], w2_ref[...], b2_ref[...],
                                   stc_ref[0, 0, :], mvc_ref[0, 0, :])


def _make_sc_realign(B, S):
    L = 16
    NCH = S // L
    mesh = plsc.VectorSubcoreMesh(core_axis_name="c", subcore_axis_name="s")

    @functools.partial(
        pl.kernel, mesh=mesh,
        compiler_params=pltpu.CompilerParams(needs_layout_passes=False),
        out_type=(
            jax.ShapeDtypeStruct((B, S), jnp.int32),
            jax.ShapeDtypeStruct((B, S), jnp.int32),
            jax.ShapeDtypeStruct((B * S,), jnp.int32),
            jax.ShapeDtypeStruct((B, L), jnp.int32),
            jax.ShapeDtypeStruct((B, L), jnp.int32),
        ),
        scratch_types=[
            pltpu.VMEM((S,), jnp.int32),
            pltpu.VMEM((S,), jnp.int32),
            pltpu.VMEM((S,), jnp.int32),
            pltpu.VMEM((S,), jnp.int32),
            pltpu.VMEM((S,), jnp.int32),
            pltpu.VMEM((S,), jnp.int32),
            pltpu.VMEM((S + L,), jnp.int32),
            pltpu.VMEM((B * S,), jnp.int32),
            pltpu.VMEM((B, L), jnp.int32),
            pltpu.VMEM((B, L), jnp.int32),
            pltpu.VMEM((L,), jnp.int32),
            pltpu.VMEM((L,), jnp.int32),
            pltpu.SemaphoreType.DMA,
        ])
    def realign(tm_hbm, tmm_hbm, tag_hbm, tagm_hbm,
                sp_hbm, keep_hbm, v_hbm, cnt_hbm, ts_hbm,
                tmm_v, tok_v, tag_v, tagm_v, keep_v, tokcs_v, tagbuf,
                vbuf, clocal, tslocal, offarr, stg, sem):
        c = lax.axis_index("c")
        b = lax.axis_index("s")

        @pl.when(c == 0)
        def _phase1():
            cps = [pltpu.async_copy(tmm_hbm.at[b], tmm_v, sem),
                   pltpu.async_copy(tm_hbm.at[b], tok_v, sem),
                   pltpu.async_copy(tag_hbm.at[b], tag_v, sem),
                   pltpu.async_copy(tagm_hbm.at[b], tagm_v, sem)]
            cps[0].wait()

            def tot_body(t, tot):
                tagbuf[pl.ds(t * L, L)] = jnp.zeros((L,), jnp.int32)
                return tot + plsc.cumsum(tmm_v[pl.ds(t * L, L)])[L - 1]
            total = lax.fori_loop(0, NCH, tot_body, jnp.int32(0), unroll=2)
            tagbuf[pl.ds(NCH * L, L)] = jnp.zeros((L,), jnp.int32)
            cps[1].wait()
            cps[2].wait()
            cps[3].wait()

            def ch_body(t, carry):
                ctmm, ctok, ptr = carry
                v = tmm_v[pl.ds(t * L, L)]
                cs = plsc.cumsum(v) + ctmm
                kp = ((cs > 1) & (cs <= total - 1) & (v > 0)).astype(jnp.int32)
                tk = tok_v[pl.ds(t * L, L)] * kp
                tcs = plsc.cumsum(tk) + ctok
                keep_v[pl.ds(t * L, L)] = kp
                tokcs_v[pl.ds(t * L, L)] = tcs
                mi = (tagm_v[pl.ds(t * L, L)] > 0).astype(jnp.int32)
                mcs = plsc.cumsum(mi)
                idx = mcs - 1 + ptr
                plsc.store_scatter(tagbuf, [idx], tag_v[pl.ds(t * L, L)],
                                   mask=mi > 0)
                return (cs[L - 1], tcs[L - 1], ptr + mcs[L - 1])
            _, toksum, cnt = lax.fori_loop(
                0, NCH, ch_body,
                (jnp.int32(0), jnp.int32(0), jnp.int32(0)), unroll=2)

            pltpu.sync_copy(tagbuf.at[pl.ds(0, S)], v_hbm.at[pl.ds(b * S, S)])
            stg[...] = jnp.full((L,), cnt, jnp.int32)
            pltpu.sync_copy(stg, cnt_hbm.at[b])
            stg[...] = jnp.full((L,), toksum, jnp.int32)
            pltpu.sync_copy(stg, ts_hbm.at[b])

        plsc.subcore_barrier()

        @pl.when(c == 0)
        def _phase2():
            vcp = pltpu.async_copy(v_hbm, vbuf, sem)
            pltpu.sync_copy(cnt_hbm, clocal)
            pltpu.sync_copy(ts_hbm, tslocal)
            lanes = jnp.arange(L, dtype=jnp.int32)
            zeros16 = jnp.zeros((L,), jnp.int32)
            cvec = plsc.load_gather(clocal, [lanes, zeros16])
            tsvec = plsc.load_gather(tslocal, [lanes, zeros16])
            offarr[...] = plsc.cumsum(cvec) - cvec
            stg[...] = plsc.cumsum(tsvec) - tsvec
            off_tok_b = plsc.load_gather(stg, [jnp.full((L,), b, jnp.int32)])
            ovec = offarr[...]
            offs = [ovec[j] for j in range(1, B)]
            vcp.wait()

            def ch2(t, carry):
                k = tokcs_v[pl.ds(t * L, L)] - 1 + off_tok_b
                r = jnp.zeros((L,), jnp.int32)
                for oj in offs:
                    r = r + (k >= oj).astype(jnp.int32)
                offr = plsc.load_gather(offarr, [r])
                lidx = jnp.clip(k - offr, 0, S - 1)
                vals = plsc.load_gather(vbuf, [r * S + lidx])
                tk = tok_v[pl.ds(t * L, L)] * keep_v[pl.ds(t * L, L)]
                sp = jnp.where(tk > 0, vals, jnp.int32(_IGNORE))
                tmm_v[pl.ds(t * L, L)] = sp
                return carry
            lax.fori_loop(0, NCH, ch2, 0, unroll=2)
            pltpu.sync_copy(tmm_v, sp_hbm.at[b])
            pltpu.sync_copy(keep_v, keep_hbm.at[b])

    return realign


def kernel(latent_states, attention_mask, token_mask, token_mask_mask,
           tag, tag_mask, W1, b1, W2, b2):
    B, S, D = latent_states.shape
    H = W1.shape[1]
    C = W2.shape[1]
    N = B * S
    G = N // _R

    Wd = tag.shape[1]
    tag_p = jnp.pad(tag, ((0, 0), (0, S - Wd)))
    tagm_p = jnp.pad(tag_mask, ((0, 0), (0, S - Wd)))
    sparsed_tag, keep, _, _, _ = _make_sc_realign(B, S)(
        token_mask, token_mask_mask, tag_p, tagm_p)

    xs = latent_states.reshape(N, D)
    st3 = sparsed_tag.reshape(G, 1, _R)
    mv3 = keep.reshape(G, 1, _R)

    def prev_map(i):
        return (jnp.maximum(i - 1, 0), 0, 0)

    out = pl.pallas_call(
        _tc_body,
        grid=(G,),
        in_specs=[
            pl.BlockSpec((_R, D), lambda i: (i, 0)),
            pl.BlockSpec((D, H), lambda i: (0, 0)),
            pl.BlockSpec((H, 1), lambda i: (0, 0)),
            pl.BlockSpec((H, C), lambda i: (0, 0)),
            pl.BlockSpec((C, 1), lambda i: (0, 0)),
            pl.BlockSpec((1, 1, _R), prev_map),
            pl.BlockSpec((1, 1, _R), prev_map),
            pl.BlockSpec((1, 1, _R), lambda i: (i, 0, 0)),
            pl.BlockSpec((1, 1, _R), lambda i: (i, 0, 0)),
        ],
        out_specs=pl.BlockSpec((8, 128), lambda i: (0, 0)),
        out_shape=jax.ShapeDtypeStruct((8, 128), jnp.float32),
        scratch_shapes=[pltpu.VMEM((H, _R), jnp.float32)],
    )(xs, W1, b1.reshape(H, 1), W2, b2.reshape(C, 1), st3, mv3, st3, mv3)

    nll_sum = out[0, 0]
    valid_cnt = out[0, 1]
    correct = out[0, 2]
    mvalid_cnt = out[0, 3]
    cost = _LAMBDA * nll_sum / jnp.maximum(valid_cnt, 1.0)
    acc = correct / jnp.maximum(mvalid_cnt, 1.0)
    return (cost, acc)

# --- scband reference (transcript-rebuilt; emitter-appended) ---
"""Pipeline reference for scband-tag-regularizer-81595788690001 (READ-ONLY COPY).

The authoritative reference and input builder live on the scoring server;
editing this copy changes nothing except your own understanding.
"""

import jax, jax.numpy as jnp
import numpy as np

LAMBDA_W = 0.5
IGNORE = -100


def mask_out_special(dense_mask, left_n=1, right_n=1):
    csum = jnp.cumsum(dense_mask, axis=-1)
    total = csum[:, -1:]
    keep = (csum > left_n) & (csum <= total - right_n) & (dense_mask > 0)
    return keep.astype(dense_mask.dtype)


def setup_inputs(seed: int = 0):
    key = jax.random.key(seed)
    k1, k2, k3, k4 = jax.random.split(key, 4)
    B, S, D, H, C = 16, 2048, 1024, 1024, 64
    W = S - 2
    latent_states = jax.random.normal(k1, (B, S, D), dtype=jnp.float32)
    attention_mask = jnp.ones((B, S), dtype=jnp.int32)
    token_mask = jnp.ones((B, S), dtype=jnp.int32)
    token_mask_mask = jnp.ones((B, S), dtype=jnp.int32)
    tag = jax.random.randint(k2, (B, W), 0, C, dtype=jnp.int32)
    tag_mask = jnp.ones((B, W), dtype=jnp.int32)
    W1 = jax.random.normal(k3, (D, H), dtype=jnp.float32) * 0.02
    b1 = jnp.zeros((H,), dtype=jnp.float32)
    W2 = jax.random.normal(k4, (H, C), dtype=jnp.float32) * 0.02
    b2 = jnp.zeros((C,), dtype=jnp.float32)
    return {"latent_states": latent_states, "attention_mask": attention_mask,
            "token_mask": token_mask, "token_mask_mask": token_mask_mask,
            "tag": tag, "tag_mask": tag_mask,
            "W1": W1, "b1": b1, "W2": W2, "b2": b2}


def reference(latent_states, attention_mask, token_mask, token_mask_mask, tag, tag_mask, W1, b1, W2, b2):
    # POSTagClassifier: Linear -> tanh -> Linear
    h = jnp.tanh(jnp.einsum('bsd,dh->bsh', latent_states, W1) + b1)
    x = jnp.einsum('bsh,hc->bsc', h, W2) + b2
    # sparsify_values: mask out BOS/EOS, gather word-level tags, scatter to token grid
    sparsed_mask_mask = mask_out_special(token_mask_mask, 1, 1)
    tok_mask = token_mask * sparsed_mask_mask
    M = tag.shape[0] * tag.shape[1]
    flat_tag = tag.reshape(-1)
    flat_tag_mask = tag_mask.reshape(-1)
    rank_tag = jnp.cumsum(flat_tag_mask) - 1
    scatter_idx = jnp.where(flat_tag_mask > 0, rank_tag, M)
    value_gathered = jnp.zeros((M,), dtype=jnp.int32).at[scatter_idx].set(
        flat_tag.astype(jnp.int32), mode='drop')
    flat_tok_mask = tok_mask.reshape(-1)
    rank_tok = jnp.cumsum(flat_tok_mask) - 1
    B, S = token_mask.shape
    gathered = value_gathered[jnp.clip(rank_tok, 0, M - 1)]
    sparsed_tag = jnp.where(flat_tok_mask > 0, gathered,
                            jnp.int32(IGNORE)).reshape(B, S)
    # tag_cost: cross-entropy with ignore_index
    C = x.shape[-1]
    logits = x.reshape(-1, C)
    t = sparsed_tag.reshape(-1)
    valid = t != IGNORE
    t_safe = jnp.where(valid, t, 0)
    logp = jax.nn.log_softmax(logits, axis=-1)
    nll = -jnp.take_along_axis(logp, t_safe[:, None], axis=-1)[:, 0]
    denom = jnp.maximum(jnp.sum(valid.astype(jnp.float32)), 1.0)
    cost = jnp.sum(nll * valid.astype(jnp.float32)) / denom
    # tag_acc
    pred = jnp.argmax(x, axis=-1)
    mvalid = sparsed_mask_mask > 0
    acc = jnp.sum(((pred == sparsed_tag) & mvalid).astype(jnp.float32)) / jnp.maximum(
        jnp.sum(mvalid.astype(jnp.float32)), 1.0)
    return (cost * LAMBDA_W, acc)

if __name__ == "__main__":
    import jax
    _d = setup_inputs()
    print(jax.jit(kernel)(*tuple(_d.values())))

</pallas_src>

<mosaic_0001>
#map = affine_map<(d0, d1) -> (0, 0)>
#map1 = affine_map<(d0, d1) -> (0)>
module attributes {stable_mosaic.version = 14 : i64} {
  func.func @realign(%arg0: i32, %arg1: i32, %arg2: memref<16x2048xi32, #tpu.memory_space<hbm>>, %arg3: memref<16x2048xi32, #tpu.memory_space<hbm>>, %arg4: memref<16x2048xi32, #tpu.memory_space<hbm>>, %arg5: memref<16x2048xi32, #tpu.memory_space<hbm>>, %arg6: memref<16x2048xi32, #tpu.memory_space<hbm>>, %arg7: memref<16x2048xi32, #tpu.memory_space<hbm>>, %arg8: memref<32768xi32, #tpu.memory_space<hbm>>, %arg9: memref<16x16xi32, #tpu.memory_space<hbm>>, %arg10: memref<16x16xi32, #tpu.memory_space<hbm>>, %arg11: memref<2048xi32, #tpu.memory_space<vmem>>, %arg12: memref<2048xi32, #tpu.memory_space<vmem>>, %arg13: memref<2048xi32, #tpu.memory_space<vmem>>, %arg14: memref<2048xi32, #tpu.memory_space<vmem>>, %arg15: memref<2048xi32, #tpu.memory_space<vmem>>, %arg16: memref<2048xi32, #tpu.memory_space<vmem>>, %arg17: memref<2064xi32, #tpu.memory_space<vmem>>, %arg18: memref<32768xi32, #tpu.memory_space<vmem>>, %arg19: memref<16x16xi32, #tpu.memory_space<vmem>>, %arg20: memref<16x16xi32, #tpu.memory_space<vmem>>, %arg21: memref<16xi32, #tpu.memory_space<vmem>>, %arg22: memref<16xi32, #tpu.memory_space<vmem>>, %arg23: memref<!tpu.dma_semaphore, #tpu.memory_space<semaphore_mem>>) attributes {dimension_semantics = [#tpu.dimension_semantics<core_parallel>, #tpu.dimension_semantics<subcore_parallel>], iteration_bounds = array<i64: 2, 16>, scalar_prefetch = 0 : i64, scratch_operands = 13 : i64, tpu.core_type = #tpu.core_type<sc_vector_subcore>, window_params = [{transform_indices = #map}, {transform_indices = #map}, {transform_indices = #map}, {transform_indices = #map}, {transform_indices = #map}, {transform_indices = #map}, {transform_indices = #map1}, {transform_indices = #map}, {transform_indices = #map}]} {
    %eq3A = arith.constant 0 : i32
    %eq3A_0 = arith.cmpi eq, %arg0, %eq3A : i32
    %convert_element_type3A = arith.extui %eq3A_0 : i1 to i32
    %cond3A = arith.constant 0 : i32
    %cond3A_1 = arith.cmpi ne, %convert_element_type3A, %cond3A : i32
    scf.if %cond3A_1 {
      %dma_start3A = arith.constant 0 : i32
      %dma_start3A_7 = tpu.memref_slice %arg3[%arg1, %dma_start3A] : memref<16x2048xi32, #tpu.memory_space<hbm>> -> memref<1x2048xi32, #tpu.memory_space<hbm>>
      %dma_start3A_8 = tpu.memref_squeeze %dma_start3A_7 : memref<1x2048xi32, #tpu.memory_space<hbm>> -> memref<2048xi32, #tpu.memory_space<hbm>>
      %dma_start3A_9 = arith.constant 0 : i32
      %dma_start3A_10 = tpu.memref_slice %arg3[%arg1, %dma_start3A_9] : memref<16x2048xi32, #tpu.memory_space<hbm>> -> memref<1x2048xi32, #tpu.memory_space<hbm>>
      %dma_start3A_11 = tpu.memref_squeeze %dma_start3A_10 : memref<1x2048xi32, #tpu.memory_space<hbm>> -> memref<2048xi32, #tpu.memory_space<hbm>>
      tpu.enqueue_dma source(%dma_start3A_11 : memref<2048xi32, #tpu.memory_space<hbm>>) target(%arg11 : memref<2048xi32, #tpu.memory_space<vmem>>) target_semaphore(%arg23 : memref<!tpu.dma_semaphore, #tpu.memory_space<semaphore_mem>>)
      %dma_start3A_12 = arith.constant 0 : i32
      %dma_start3A_13 = tpu.memref_slice %arg2[%arg1, %dma_start3A_12] : memref<16x2048xi32, #tpu.memory_space<hbm>> -> memref<1x2048xi32, #tpu.memory_space<hbm>>
      %dma_start3A_14 = tpu.memref_squeeze %dma_start3A_13 : memref<1x2048xi32, #tpu.memory_space<hbm>> -> memref<2048xi32, #tpu.memory_space<hbm>>
      %dma_start3A_15 = arith.constant 0 : i32
      %dma_start3A_16 = tpu.memref_slice %arg2[%arg1, %dma_start3A_15] : memref<16x2048xi32, #tpu.memory_space<hbm>> -> memref<1x2048xi32, #tpu.memory_space<hbm>>
      %dma_start3A_17 = tpu.memref_squeeze %dma_start3A_16 : memref<1x2048xi32, #tpu.memory_space<hbm>> -> memref<2048xi32, #tpu.memory_space<hbm>>
      tpu.enqueue_dma source(%dma_start3A_17 : memref<2048xi32, #tpu.memory_space<hbm>>) target(%arg12 : memref<2048xi32, #tpu.memory_space<vmem>>) target_semaphore(%arg23 : memref<!tpu.dma_semaphore, #tpu.memory_space<semaphore_mem>>)
      %dma_start3A_18 = arith.constant 0 : i32
      %dma_start3A_19 = tpu.memref_slice %arg4[%arg1, %dma_start3A_18] : memref<16x2048xi32, #tpu.memory_space<hbm>> -> memref<1x2048xi32, #tpu.memory_space<hbm>>
      %dma_start3A_20 = tpu.memref_squeeze %dma_start3A_19 : memref<1x2048xi32, #tpu.memory_space<hbm>> -> memref<2048xi32, #tpu.memory_space<hbm>>
      %dma_start3A_21 = arith.constant 0 : i32
      %dma_start3A_22 = tpu.memref_slice %arg4[%arg1, %dma_start3A_21] : memref<16x2048xi32, #tpu.memory_space<hbm>> -> memref<1x2048xi32, #tpu.memory_space<hbm>>
      %dma_start3A_23 = tpu.memref_squeeze %dma_start3A_22 : memref<1x2048xi32, #tpu.memory_space<hbm>> -> memref<2048xi32, #tpu.memory_space<hbm>>
      tpu.enqueue_dma source(%dma_start3A_23 : memref<2048xi32, #tpu.memory_space<hbm>>) target(%arg13 : memref<2048xi32, #tpu.memory_space<vmem>>) target_semaphore(%arg23 : memref<!tpu.dma_semaphore, #tpu.memory_space<semaphore_mem>>)
      %dma_start3A_24 = arith.constant 0 : i32
      %dma_start3A_25 = tpu.memref_slice %arg5[%arg1, %dma_start3A_24] : memref<16x2048xi32, #tpu.memory_space<hbm>> -> memref<1x2048xi32, #tpu.memory_space<hbm>>
      %dma_start3A_26 = tpu.memref_squeeze %dma_start3A_25 : memref<1x2048xi32, #tpu.memory_space<hbm>> -> memref<2048xi32, #tpu.memory_space<hbm>>
      %dma_start3A_27 = arith.constant 0 : i32
      %dma_start3A_28 = tpu.memref_slice %arg5[%arg1, %dma_start3A_27] : memref<16x2048xi32, #tpu.memory_space<hbm>> -> memref<1x2048xi32, #tpu.memory_space<hbm>>
      %dma_start3A_29 = tpu.memref_squeeze %dma_start3A_28 : memref<1x2048xi32, #tpu.memory_space<hbm>> -> memref<2048xi32, #tpu.memory_space<hbm>>
      tpu.enqueue_dma source(%dma_start3A_29 : memref<2048xi32, #tpu.memory_space<hbm>>) target(%arg14 : memref<2048xi32, #tpu.memory_space<vmem>>) target_semaphore(%arg23 : memref<!tpu.dma_semaphore, #tpu.memory_space<semaphore_mem>>)
      %dma_wait3A = arith.constant 0 : i32
      %dma_wait3A_30 = tpu.memref_slice %arg3[%arg1, %dma_wait3A] : memref<16x2048xi32, #tpu.memory_space<hbm>> -> memref<1x2048xi32, #tpu.memory_space<hbm>>
      %dma_wait3A_31 = tpu.memref_squeeze %dma_wait3A_30 : memref<1x2048xi32, #tpu.memory_space<hbm>> -> memref<2048xi32, #tpu.memory_space<hbm>>
      %dma_wait3A_32 = arith.constant 0 : i32
      %dma_wait3A_33 = tpu.memref_slice %arg3[%arg1, %dma_wait3A_32] : memref<16x2048xi32, #tpu.memory_space<hbm>> -> memref<1x2048xi32, #tpu.memory_space<hbm>>
      %dma_wait3A_34 = tpu.memref_squeeze %dma_wait3A_33 : memref<1x2048xi32, #tpu.memory_space<hbm>> -> memref<2048xi32, #tpu.memory_space<hbm>>
      tpu.wait_dma2 semaphore(%arg23 : memref<!tpu.dma_semaphore, #tpu.memory_space<semaphore_mem>>) src(%dma_wait3A_34 : memref<2048xi32, #tpu.memory_space<hbm>>) dst(%arg11 : memref<2048xi32, #tpu.memory_space<vmem>>)
      %scan3A = arith.constant 0 : i32
      %scan3A_35 = arith.constant 0 : i32
      %scan3A_36 = arith.constant 128 : i32
      %scan3A_37 = arith.addi %scan3A_35, %scan3A_36 : i32
      %scan3A_38 = arith.constant 2 : i32
      %scan3A_39 = scf.for %scan3A_77 = %scan3A_35 to %scan3A_37 step %scan3A_38 iter_args(%scan3A_78 = %scan3A) -> (i32)  : i32 {
        %broadcast_in_dim3A_79 = arith.constant 0 : i32
        %broadcast_in_dim3A_80 = vector.broadcast %broadcast_in_dim3A_79 : i32 to vector<16xi32>
        %mul3A_81 = arith.constant 16 : i32
        %mul3A_82 = arith.muli %scan3A_77, %mul3A_81 : i32
        %swap3A_83 = arith.index_cast %mul3A_82 : i32 to index
        %swap3A_84 = tpu.vector_load %arg17[%swap3A_83] {strides = array<i32>} : memref<2064xi32, #tpu.memory_space<vmem>>, vector<16xi32>,
        tpu.vector_store %arg17[%swap3A_83], %broadcast_in_dim3A_80 {strides = array<i32>} : memref<2064xi32, #tpu.memory_space<vmem>>, vector<16xi32>,
        %mul3A_85 = arith.constant 16 : i32
        %mul3A_86 = arith.muli %scan3A_77, %mul3A_85 : i32
        %get3A = arith.index_cast %mul3A_86 : i32 to index
        %get3A_87 = tpu.vector_load %arg11[%get3A] {strides = array<i32>} : memref<2048xi32, #tpu.memory_space<vmem>>, vector<16xi32>,
        %broadcast_in_dim3A_88 = arith.constant true
        %broadcast_in_dim3A_89 = vector.broadcast %broadcast_in_dim3A_88 : i1 to vector<16xi1>
        %masked_cumsum3A = tpu.scan <sum>, %get3A_87 masked %broadcast_in_dim3A_89 : vector<16xi32>, vector<16xi1> -> vector<16xi32>
        %slice3A = vector.extract_strided_slice %masked_cumsum3A {offsets = [15], sizes = [1], strides = [1]} : vector<16xi32> to vector<1xi32>
        %squeeze3A = vector.extract %slice3A[0] : i32 from vector<1xi32>
        %add3A = arith.addi %scan3A_78, %squeeze3A : i32
        %scan3A_90 = arith.constant 1 : i32
        %scan3A_91 = arith.addi %scan3A_77, %scan3A_90 : i32
        %broadcast_in_dim3A_92 = arith.constant 0 : i32
        %broadcast_in_dim3A_93 = vector.broadcast %broadcast_in_dim3A_92 : i32 to vector<16xi32>
        %mul3A_94 = arith.constant 16 : i32
        %mul3A_95 = arith.muli %scan3A_91, %mul3A_94 : i32
        %swap3A_96 = arith.index_cast %mul3A_95 : i32 to index
        %swap3A_97 = tpu.vector_load %arg17[%swap3A_96] {strides = array<i32>} : memref<2064xi32, #tpu.memory_space<vmem>>, vector<16xi32>,
        tpu.vector_store %arg17[%swap3A_96], %broadcast_in_dim3A_93 {strides = array<i32>} : memref<2064xi32, #tpu.memory_space<vmem>>, vector<16xi32>,
        %mul3A_98 = arith.constant 16 : i32
        %mul3A_99 = arith.muli %scan3A_91, %mul3A_98 : i32
        %get3A_100 = arith.index_cast %mul3A_99 : i32 to index
        %get3A_101 = tpu.vector_load %arg11[%get3A_100] {strides = array<i32>} : memref<2048xi32, #tpu.memory_space<vmem>>, vector<16xi32>,
        %broadcast_in_dim3A_102 = arith.constant true
        %broadcast_in_dim3A_103 = vector.broadcast %broadcast_in_dim3A_102 : i1 to vector<16xi1>
        %masked_cumsum3A_104 = tpu.scan <sum>, %get3A_101 masked %broadcast_in_dim3A_103 : vector<16xi32>, vector<16xi1> -> vector<16xi32>
        %slice3A_105 = vector.extract_strided_slice %masked_cumsum3A_104 {offsets = [15], sizes = [1], strides = [1]} : vector<16xi32> to vector<1xi32>
        %squeeze3A_106 = vector.extract %slice3A_105[0] : i32 from vector<1xi32>
        %add3A_107 = arith.addi %add3A, %squeeze3A_106 : i32
        scf.yield %add3A_107 : i32
      }
      %scan3A_40 = arith.constant 128 : i32
      %broadcast_in_dim3A = arith.constant 0 : i32
      %broadcast_in_dim3A_41 = vector.broadcast %broadcast_in_dim3A : i32 to vector<16xi32>
      %swap3A = arith.constant 2048 : index
      %swap3A_42 = tpu.vector_load %arg17[%swap3A] {strides = array<i32>} : memref<2064xi32, #tpu.memory_space<vmem>>, vector<16xi32>,
      tpu.vector_store %arg17[%swap3A], %broadcast_in_dim3A_41 {strides = array<i32>} : memref<2064xi32, #tpu.memory_space<vmem>>, vector<16xi32>,
      %dma_wait3A_43 = arith.constant 0 : i32
      %dma_wait3A_44 = tpu.memref_slice %arg2[%arg1, %dma_wait3A_43] : memref<16x2048xi32, #tpu.memory_space<hbm>> -> memref<1x2048xi32, #tpu.memory_space<hbm>>
      %dma_wait3A_45 = tpu.memref_squeeze %dma_wait3A_44 : memref<1x2048xi32, #tpu.memory_space<hbm>> -> memref<2048xi32, #tpu.memory_space<hbm>>
      %dma_wait3A_46 = arith.constant 0 : i32
      %dma_wait3A_47 = tpu.memref_slice %arg2[%arg1, %dma_wait3A_46] : memref<16x2048xi32, #tpu.memory_space<hbm>> -> memref<1x2048xi32, #tpu.memory_space<hbm>>
      %dma_wait3A_48 = tpu.memref_squeeze %dma_wait3A_47 : memref<1x2048xi32, #tpu.memory_space<hbm>> -> memref<2048xi32, #tpu.memory_space<hbm>>
      tpu.wait_dma2 semaphore(%arg23 : memref<!tpu.dma_semaphore, #tpu.memory_space<semaphore_mem>>) src(%dma_wait3A_48 : memref<2048xi32, #tpu.memory_space<hbm>>) dst(%arg12 : memref<2048xi32, #tpu.memory_space<vmem>>)
      %dma_wait3A_49 = arith.constant 0 : i32
      %dma_wait3A_50 = tpu.memref_slice %arg4[%arg1, %dma_wait3A_49] : memref<16x2048xi32, #tpu.memory_space<hbm>> -> memref<1x2048xi32, #tpu.memory_space<hbm>>
      %dma_wait3A_51 = tpu.memref_squeeze %dma_wait3A_50 : memref<1x2048xi32, #tpu.memory_space<hbm>> -> memref<2048xi32, #tpu.memory_space<hbm>>
      %dma_wait3A_52 = arith.constant 0 : i32
      %dma_wait3A_53 = tpu.memref_slice %arg4[%arg1, %dma_wait3A_52] : memref<16x2048xi32, #tpu.memory_space<hbm>> -> memref<1x2048xi32, #tpu.memory_space<hbm>>
      %dma_wait3A_54 = tpu.memref_squeeze %dma_wait3A_53 : memref<1x2048xi32, #tpu.memory_space<hbm>> -> memref<2048xi32, #tpu.memory_space<hbm>>
      tpu.wait_dma2 semaphore(%arg23 : memref<!tpu.dma_semaphore, #tpu.memory_space<semaphore_mem>>) src(%dma_wait3A_54 : memref<2048xi32, #tpu.memory_space<hbm>>) dst(%arg13 : memref<2048xi32, #tpu.memory_space<vmem>>)
      %dma_wait3A_55 = arith.constant 0 : i32
      %dma_wait3A_56 = tpu.memref_slice %arg5[%arg1, %dma_wait3A_55] : memref<16x2048xi32, #tpu.memory_space<hbm>> -> memref<1x2048xi32, #tpu.memory_space<hbm>>
      %dma_wait3A_57 = tpu.memref_squeeze %dma_wait3A_56 : memref<1x2048xi32, #tpu.memory_space<hbm>> -> memref<2048xi32, #tpu.memory_space<hbm>>
      %dma_wait3A_58 = arith.constant 0 : i32
      %dma_wait3A_59 = tpu.memref_slice %arg5[%arg1, %dma_wait3A_58] : memref<16x2048xi32, #tpu.memory_space<hbm>> -> memref<1x2048xi32, #tpu.memory_space<hbm>>
      %dma_wait3A_60 = tpu.memref_squeeze %dma_wait3A_59 : memref<1x2048xi32, #tpu.memory_space<hbm>> -> memref<2048xi32, #tpu.memory_space<hbm>>
      tpu.wait_dma2 semaphore(%arg23 : memref<!tpu.dma_semaphore, #tpu.memory_space<semaphore_mem>>) src(%dma_wait3A_60 : memref<2048xi32, #tpu.memory_space<hbm>>) dst(%arg14 : memref<2048xi32, #tpu.memory_space<vmem>>)
      %scan3A_61 = arith.constant 0 : i32
      %scan3A_62 = arith.constant 0 : i32
      %scan3A_63 = arith.constant 0 : i32
      %scan3A_64 = arith.constant 0 : i32
      %scan3A_65 = arith.constant 128 : i32
      %scan3A_66 = arith.addi %scan3A_64, %scan3A_65 : i32
      %scan3A_67 = arith.constant 2 : i32
      %scan3A_68:3 = scf.for %scan3A_77 = %scan3A_64 to %scan3A_66 step %scan3A_67 iter_args(%scan3A_78 = %scan3A_61, %scan3A_79 = %scan3A_62, %scan3A_80 = %scan3A_63) -> (i32, i32, i32)  : i32 {
        %mul3A_81 = arith.constant 16 : i32
        %mul3A_82 = arith.muli %scan3A_77, %mul3A_81 : i32
        %get3A = arith.index_cast %mul3A_82 : i32 to index
        %get3A_83 = tpu.vector_load %arg11[%get3A] {strides = array<i32>} : memref<2048xi32, #tpu.memory_space<vmem>>, vector<16xi32>,
        %broadcast_in_dim3A_84 = arith.constant true
        %broadcast_in_dim3A_85 = vector.broadcast %broadcast_in_dim3A_84 : i1 to vector<16xi1>
        %masked_cumsum3A = tpu.scan <sum>, %get3A_83 masked %broadcast_in_dim3A_85 : vector<16xi32>, vector<16xi1> -> vector<16xi32>
        %add3A = vector.broadcast %scan3A_78 : i32 to vector<16xi32>
        %add3A_86 = arith.addi %masked_cumsum3A, %add3A : vector<16xi32>
        %gt3A = arith.constant 1 : i32
        %gt3A_87 = vector.broadcast %gt3A : i32 to vector<16xi32>
        %gt3A_88 = arith.cmpi sgt, %add3A_86, %gt3A_87 : vector<16xi32>
        %sub3A = arith.constant 1 : i32
        %sub3A_89 = arith.subi %scan3A_39, %sub3A : i32
        %le3A = vector.broadcast %sub3A_89 : i32 to vector<16xi32>
        %le3A_90 = arith.cmpi sle, %add3A_86, %le3A : vector<16xi32>
        %and3A = arith.andi %gt3A_88, %le3A_90 : vector<16xi1>
        %gt3A_91 = arith.constant 0 : i32
        %gt3A_92 = vector.broadcast %gt3A_91 : i32 to vector<16xi32>
        %gt3A_93 = arith.cmpi sgt, %get3A_83, %gt3A_92 : vector<16xi32>
        %and3A_94 = arith.andi %and3A, %gt3A_93 : vector<16xi1>
        %convert_element_type3A_95 = arith.extui %and3A_94 : vector<16xi1> to vector<16xi32>
        %mul3A_96 = arith.constant 16 : i32
        %mul3A_97 = arith.muli %scan3A_77, %mul3A_96 : i32
        %get3A_98 = arith.index_cast %mul3A_97 : i32 to index
        %get3A_99 = tpu.vector_load %arg12[%get3A_98] {strides = array<i32>} : memref<2048xi32, #tpu.memory_space<vmem>>, vector<16xi32>,
        %mul3A_100 = arith.muli %get3A_99, %convert_element_type3A_95 : vector<16xi32>
        %broadcast_in_dim3A_101 = arith.constant true
        %broadcast_in_dim3A_102 = vector.broadcast %broadcast_in_dim3A_101 : i1 to vector<16xi1>
        %masked_cumsum3A_103 = tpu.scan <sum>, %mul3A_100 masked %broadcast_in_dim3A_102 : vector<16xi32>, vector<16xi1> -> vector<16xi32>
        %add3A_104 = vector.broadcast %scan3A_79 : i32 to vector<16xi32>
        %add3A_105 = arith.addi %masked_cumsum3A_103, %add3A_104 : vector<16xi32>
        %mul3A_106 = arith.constant 16 : i32
        %mul3A_107 = arith.muli %scan3A_77, %mul3A_106 : i32
        %swap3A_108 = arith.index_cast %mul3A_107 : i32 to index
        %swap3A_109 = tpu.vector_load %arg15[%swap3A_108] {strides = array<i32>} : memref<2048xi32, #tpu.memory_space<vmem>>, vector<16xi32>,
        tpu.vector_store %arg15[%swap3A_108], %convert_element_type3A_95 {strides = array<i32>} : memref<2048xi32, #tpu.memory_space<vmem>>, vector<16xi32>,
        %mul3A_110 = arith.constant 16 : i32
        %mul3A_111 = arith.muli %scan3A_77, %mul3A_110 : i32
        %swap3A_112 = arith.index_cast %mul3A_111 : i32 to index
        %swap3A_113 = tpu.vector_load %arg16[%swap3A_112] {strides = array<i32>} : memref<2048xi32, #tpu.memory_space<vmem>>, vector<16xi32>,
        tpu.vector_store %arg16[%swap3A_112], %add3A_105 {strides = array<i32>} : memref<2048xi32, #tpu.memory_space<vmem>>, vector<16xi32>,
        %mul3A_114 = arith.constant 16 : i32
        %mul3A_115 = arith.muli %scan3A_77, %mul3A_114 : i32
        %get3A_116 = arith.index_cast %mul3A_115 : i32 to index
        %get3A_117 = tpu.vector_load %arg14[%get3A_116] {strides = array<i32>} : memref<2048xi32, #tpu.memory_space<vmem>>, vector<16xi32>,
        %gt3A_118 = arith.constant 0 : i32
        %gt3A_119 = vector.broadcast %gt3A_118 : i32 to vector<16xi32>
        %gt3A_120 = arith.cmpi sgt, %get3A_117, %gt3A_119 : vector<16xi32>
        %convert_element_type3A_121 = arith.extui %gt3A_120 : vector<16xi1> to vector<16xi32>
        %broadcast_in_dim3A_122 = arith.constant true
        %broadcast_in_dim3A_123 = vector.broadcast %broadcast_in_dim3A_122 : i1 to vector<16xi1>
        %masked_cumsum3A_124 = tpu.scan <sum>, %convert_element_type3A_121 masked %broadcast_in_dim3A_123 : vector<16xi32>, vector<16xi1> -> vector<16xi32>
        %sub3A_125 = arith.constant 1 : i32
        %sub3A_126 = vector.broadcast %sub3A_125 : i32 to vector<16xi32>
        %sub3A_127 = arith.subi %masked_cumsum3A_124, %sub3A_126 : vector<16xi32>
        %add3A_128 = vector.broadcast %scan3A_80 : i32 to vector<16xi32>
        %add3A_129 = arith.addi %sub3A_127, %add3A_128 : vector<16xi32>
        %mul3A_130 = arith.constant 16 : i32
        %mul3A_131 = arith.muli %scan3A_77, %mul3A_130 : i32
        %get3A_132 = arith.index_cast %mul3A_131 : i32 to index
        %get3A_133 = tpu.vector_load %arg13[%get3A_132] {strides = array<i32>} : memref<2048xi32, #tpu.memory_space<vmem>>, vector<16xi32>,
        %gt3A_134 = arith.constant 0 : i32
        %gt3A_135 = vector.broadcast %gt3A_134 : i32 to vector<16xi32>
        %gt3A_136 = arith.cmpi sgt, %convert_element_type3A_121, %gt3A_135 : vector<16xi32>
        tpu.vector_store_idx %arg17[%add3A_129], %get3A_133 masked %gt3A_136 : memref<2064xi32, #tpu.memory_space<vmem>>[vector<16xi32>], vector<16xi32>, vector<16xi1>
        %slice3A = vector.extract_strided_slice %add3A_86 {offsets = [15], sizes = [1], strides = [1]} : vector<16xi32> to vector<1xi32>
        %squeeze3A = vector.extract %slice3A[0] : i32 from vector<1xi32>
        %slice3A_137 = vector.extract_strided_slice %add3A_105 {offsets = [15], sizes = [1], strides = [1]} : vector<16xi32> to vector<1xi32>
        %squeeze3A_138 = vector.extract %slice3A_137[0] : i32 from vector<1xi32>
        %slice3A_139 = vector.extract_strided_slice %masked_cumsum3A_124 {offsets = [15], sizes = [1], strides = [1]} : vector<16xi32> to vector<1xi32>
        %squeeze3A_140 = vector.extract %slice3A_139[0] : i32 from vector<1xi32>
        %add3A_141 = arith.addi %scan3A_80, %squeeze3A_140 : i32
        %scan3A_142 = arith.constant 1 : i32
        %scan3A_143 = arith.addi %scan3A_77, %scan3A_142 : i32
        %mul3A_144 = arith.constant 16 : i32
        %mul3A_145 = arith.muli %scan3A_143, %mul3A_144 : i32
        %get3A_146 = arith.index_cast %mul3A_145 : i32 to index
        %get3A_147 = tpu.vector_load %arg11[%get3A_146] {strides = array<i32>} : memref<2048xi32, #tpu.memory_space<vmem>>, vector<16xi32>,
        %broadcast_in_dim3A_148 = arith.constant true
        %broadcast_in_dim3A_149 = vector.broadcast %broadcast_in_dim3A_148 : i1 to vector<16xi1>
        %masked_cumsum3A_150 = tpu.scan <sum>, %get3A_147 masked %broadcast_in_dim3A_149 : vector<16xi32>, vector<16xi1> -> vector<16xi32>
        %add3A_151 = vector.broadcast %squeeze3A : i32 to vector<16xi32>
        %add3A_152 = arith.addi %masked_cumsum3A_150, %add3A_151 : vector<16xi32>
        %gt3A_153 = arith.constant 1 : i32
        %gt3A_154 = vector.broadcast %gt3A_153 : i32 to vector<16xi32>
        %gt3A_155 = arith.cmpi sgt, %add3A_152, %gt3A_154 : vector<16xi32>
        %sub3A_156 = arith.constant 1 : i32
        %sub3A_157 = arith.subi %scan3A_39, %sub3A_156 : i32
        %le3A_158 = vector.broadcast %sub3A_157 : i32 to vector<16xi32>
        %le3A_159 = arith.cmpi sle, %add3A_152, %le3A_158 : vector<16xi32>
        %and3A_160 = arith.andi %gt3A_155, %le3A_159 : vector<16xi1>
        %gt3A_161 = arith.constant 0 : i32
        %gt3A_162 = vector.broadcast %gt3A_161 : i32 to vector<16xi32>
        %gt3A_163 = arith.cmpi sgt, %get3A_147, %gt3A_162 : vector<16xi32>
        %and3A_164 = arith.andi %and3A_160, %gt3A_163 : vector<16xi1>
        %convert_element_type3A_165 = arith.extui %and3A_164 : vector<16xi1> to vector<16xi32>
        %mul3A_166 = arith.constant 16 : i32
        %mul3A_167 = arith.muli %scan3A_143, %mul3A_166 : i32
        %get3A_168 = arith.index_cast %mul3A_167 : i32 to index
        %get3A_169 = tpu.vector_load %arg12[%get3A_168] {strides = array<i32>} : memref<2048xi32, #tpu.memory_space<vmem>>, vector<16xi32>,
        %mul3A_170 = arith.muli %get3A_169, %convert_element_type3A_165 : vector<16xi32>
        %broadcast_in_dim3A_171 = arith.constant true
        %broadcast_in_dim3A_172 = vector.broadcast %broadcast_in_dim3A_171 : i1 to vector<16xi1>
        %masked_cumsum3A_173 = tpu.scan <sum>, %mul3A_170 masked %broadcast_in_dim3A_172 : vector<16xi32>, vector<16xi1> -> vector<16xi32>
        %add3A_174 = vector.broadcast %squeeze3A_138 : i32 to vector<16xi32>
        %add3A_175 = arith.addi %masked_cumsum3A_173, %add3A_174 : vector<16xi32>
        %mul3A_176 = arith.constant 16 : i32
        %mul3A_177 = arith.muli %scan3A_143, %mul3A_176 : i32
        %swap3A_178 = arith.index_cast %mul3A_177 : i32 to index
        %swap3A_179 = tpu.vector_load %arg15[%swap3A_178] {strides = array<i32>} : memref<2048xi32, #tpu.memory_space<vmem>>, vector<16xi32>,
        tpu.vector_store %arg15[%swap3A_178], %convert_element_type3A_165 {strides = array<i32>} : memref<2048xi32, #tpu.memory_space<vmem>>, vector<16xi32>,
        %mul3A_180 = arith.constant 16 : i32
        %mul3A_181 = arith.muli %scan3A_143, %mul3A_180 : i32
        %swap3A_182 = arith.index_cast %mul3A_181 : i32 to index
        %swap3A_183 = tpu.vector_load %arg16[%swap3A_182] {strides = array<i32>} : memref<2048xi32, #tpu.memory_space<vmem>>, vector<16xi32>,
        tpu.vector_store %arg16[%swap3A_182], %add3A_175 {strides = array<i32>} : memref<2048xi32, #tpu.memory_space<vmem>>, vector<16xi32>,
        %mul3A_184 = arith.constant 16 : i32
        %mul3A_185 = arith.muli %scan3A_143, %mul3A_184 : i32
        %get3A_186 = arith.index_cast %mul3A_185 : i32 to index
        %get3A_187 = tpu.vector_load %arg14[%get3A_186] {strides = array<i32>} : memref<2048xi32, #tpu.memory_space<vmem>>, vector<16xi32>,
        %gt3A_188 = arith.constant 0 : i32
        %gt3A_189 = vector.broadcast %gt3A_188 : i32 to vector<16xi32>
        %gt3A_190 = arith.cmpi sgt, %get3A_187, %gt3A_189 : vector<16xi32>
        %convert_element_type3A_191 = arith.extui %gt3A_190 : vector<16xi1> to vector<16xi32>
        %broadcast_in_dim3A_192 = arith.constant true
        %broadcast_in_dim3A_193 = vector.broadcast %broadcast_in_dim3A_192 : i1 to vector<16xi1>
        %masked_cumsum3A_194 = tpu.scan <sum>, %convert_element_type3A_191 masked %broadcast_in_dim3A_193 : vector<16xi32>, vector<16xi1> -> vector<16xi32>
        %sub3A_195 = arith.constant 1 : i32
        %sub3A_196 = vector.broadcast %sub3A_195 : i32 to vector<16xi32>
        %sub3A_197 = arith.subi %masked_cumsum3A_194, %sub3A_196 : vector<16xi32>
        %add3A_198 = vector.broadcast %add3A_141 : i32 to vector<16xi32>
        %add3A_199 = arith.addi %sub3A_197, %add3A_198 : vector<16xi32>
        %mul3A_200 = arith.constant 16 : i32
        %mul3A_201 = arith.muli %scan3A_143, %mul3A_200 : i32
        %get3A_202 = arith.index_cast %mul3A_201 : i32 to index
        %get3A_203 = tpu.vector_load %arg13[%get3A_202] {strides = array<i32>} : memref<2048xi32, #tpu.memory_space<vmem>>, vector<16xi32>,
        %gt3A_204 = arith.constant 0 : i32
        %gt3A_205 = vector.broadcast %gt3A_204 : i32 to vector<16xi32>
        %gt3A_206 = arith.cmpi sgt, %convert_element_type3A_191, %gt3A_205 : vector<16xi32>
        tpu.vector_store_idx %arg17[%add3A_199], %get3A_203 masked %gt3A_206 : memref<2064xi32, #tpu.memory_space<vmem>>[vector<16xi32>], vector<16xi32>, vector<16xi1>
        %slice3A_207 = vector.extract_strided_slice %add3A_152 {offsets = [15], sizes = [1], strides = [1]} : vector<16xi32> to vector<1xi32>
        %squeeze3A_208 = vector.extract %slice3A_207[0] : i32 from vector<1xi32>
        %slice3A_209 = vector.extract_strided_slice %add3A_175 {offsets = [15], sizes = [1], strides = [1]} : vector<16xi32> to vector<1xi32>
        %squeeze3A_210 = vector.extract %slice3A_209[0] : i32 from vector<1xi32>
        %slice3A_211 = vector.extract_strided_slice %masked_cumsum3A_194 {offsets = [15], sizes = [1], strides = [1]} : vector<16xi32> to vector<1xi32>
        %squeeze3A_212 = vector.extract %slice3A_211[0] : i32 from vector<1xi32>
        %add3A_213 = arith.addi %add3A_141, %squeeze3A_212 : i32
        scf.yield %squeeze3A_208, %squeeze3A_210, %add3A_213 : i32, i32, i32
      }
      %scan3A_69 = arith.constant 128 : i32
      %mul3A = arith.constant 2048 : i32
      %mul3A_70 = arith.muli %arg1, %mul3A : i32
      "tpu.region"() ({
        %run_scoped3A = tpu.sem_alloc : memref<!tpu.dma_semaphore, #tpu.memory_space<semaphore_mem>>
        %dma_start3A_77 = arith.constant 0 : i32
        %dma_start3A_78 = tpu.memref_slice %arg17[%dma_start3A_77] : memref<2064xi32, #tpu.memory_space<vmem>> -> memref<2048xi32, #tpu.memory_space<vmem>>
        %dma_start3A_79 = tpu.memref_slice %arg8[%mul3A_70] : memref<32768xi32, #tpu.memory_space<hbm>> -> memref<2048xi32, #tpu.memory_space<hbm>>
        %dma_start3A_80 = tpu.memref_slice %arg8[%mul3A_70] : memref<32768xi32, #tpu.memory_space<hbm>> -> memref<2048xi32, #tpu.memory_space<hbm>>
        %dma_start3A_81 = arith.constant 0 : i32
        %dma_start3A_82 = tpu.memref_slice %arg17[%dma_start3A_81] : memref<2064xi32, #tpu.memory_space<vmem>> -> memref<2048xi32, #tpu.memory_space<vmem>>
        tpu.enqueue_dma source(%dma_start3A_82 : memref<2048xi32, #tpu.memory_space<vmem>>) target(%dma_start3A_80 : memref<2048xi32, #tpu.memory_space<hbm>>) target_semaphore(%run_scoped3A : memref<!tpu.dma_semaphore, #tpu.memory_space<semaphore_mem>>)
        %dma_wait3A_83 = arith.constant 0 : i32
        %dma_wait3A_84 = tpu.memref_slice %arg17[%dma_wait3A_83] : memref<2064xi32, #tpu.memory_space<vmem>> -> memref<2048xi32, #tpu.memory_space<vmem>>
        %dma_wait3A_85 = tpu.memref_slice %arg8[%mul3A_70] : memref<32768xi32, #tpu.memory_space<hbm>> -> memref<2048xi32, #tpu.memory_space<hbm>>
        %dma_wait3A_86 = tpu.memref_slice %arg8[%mul3A_70] : memref<32768xi32, #tpu.memory_space<hbm>> -> memref<2048xi32, #tpu.memory_space<hbm>>
        %dma_wait3A_87 = arith.constant 0 : i32
        %dma_wait3A_88 = tpu.memref_slice %arg17[%dma_wait3A_87] : memref<2064xi32, #tpu.memory_space<vmem>> -> memref<2048xi32, #tpu.memory_space<vmem>>
        tpu.wait_dma2 semaphore(%run_scoped3A : memref<!tpu.dma_semaphore, #tpu.memory_space<semaphore_mem>>) src(%dma_wait3A_88 : memref<2048xi32, #tpu.memory_space<vmem>>) dst(%dma_wait3A_86 : memref<2048xi32, #tpu.memory_space<hbm>>)
        tpu.yield
      }) : () -> ()
      %broadcast_in_dim3A_71 = vector.broadcast %scan3A_68#2 : i32 to vector<16xi32>
      %swap3A_72 = arith.constant 0 : index
      %swap3A_73 = tpu.vector_load %arg22[%swap3A_72] {strides = array<i32>} : memref<16xi32, #tpu.memory_space<vmem>>, vector<16xi32>,
      tpu.vector_store %arg22[%swap3A_72], %broadcast_in_dim3A_71 {strides = array<i32>} : memref<16xi32, #tpu.memory_space<vmem>>, vector<16xi32>,
      "tpu.region"() ({
        %run_scoped3A = tpu.sem_alloc : memref<!tpu.dma_semaphore, #tpu.memory_space<semaphore_mem>>
        %dma_start3A_77 = arith.constant 0 : i32
        %dma_start3A_78 = tpu.memref_slice %arg9[%arg1, %dma_start3A_77] : memref<16x16xi32, #tpu.memory_space<hbm>> -> memref<1x16xi32, #tpu.memory_space<hbm>>
        %dma_start3A_79 = tpu.memref_squeeze %dma_start3A_78 : memref<1x16xi32, #tpu.memory_space<hbm>> -> memref<16xi32, #tpu.memory_space<hbm>>
        %dma_start3A_80 = arith.constant 0 : i32
        %dma_start3A_81 = tpu.memref_slice %arg9[%arg1, %dma_start3A_80] : memref<16x16xi32, #tpu.memory_space<hbm>> -> memref<1x16xi32, #tpu.memory_space<hbm>>
        %dma_start3A_82 = tpu.memref_squeeze %dma_start3A_81 : memref<1x16xi32, #tpu.memory_space<hbm>> -> memref<16xi32, #tpu.memory_space<hbm>>
        tpu.enqueue_dma source(%arg22 : memref<16xi32, #tpu.memory_space<vmem>>) target(%dma_start3A_82 : memref<16xi32, #tpu.memory_space<hbm>>) target_semaphore(%run_scoped3A : memref<!tpu.dma_semaphore, #tpu.memory_space<semaphore_mem>>)
        %dma_wait3A_83 = arith.constant 0 : i32
        %dma_wait3A_84 = tpu.memref_slice %arg9[%arg1, %dma_wait3A_83] : memref<16x16xi32, #tpu.memory_space<hbm>> -> memref<1x16xi32, #tpu.memory_space<hbm>>
        %dma_wait3A_85 = tpu.memref_squeeze %dma_wait3A_84 : memref<1x16xi32, #tpu.memory_space<hbm>> -> memref<16xi32, #tpu.memory_space<hbm>>
        %dma_wait3A_86 = arith.constant 0 : i32
        %dma_wait3A_87 = tpu.memref_slice %arg9[%arg1, %dma_wait3A_86] : memref<16x16xi32, #tpu.memory_space<hbm>> -> memref<1x16xi32, #tpu.memory_space<hbm>>
        %dma_wait3A_88 = tpu.memref_squeeze %dma_wait3A_87 : memref<1x16xi32, #tpu.memory_space<hbm>> -> memref<16xi32, #tpu.memory_space<hbm>>
        tpu.wait_dma2 semaphore(%run_scoped3A : memref<!tpu.dma_semaphore, #tpu.memory_space<semaphore_mem>>) src(%arg22 : memref<16xi32, #tpu.memory_space<vmem>>) dst(%dma_wait3A_88 : memref<16xi32, #tpu.memory_space<hbm>>)
        tpu.yield
      }) : () -> ()
      %broadcast_in_dim3A_74 = vector.broadcast %scan3A_68#1 : i32 to vector<16xi32>
      %swap3A_75 = arith.constant 0 : index
      %swap3A_76 = tpu.vector_load %arg22[%swap3A_75] {strides = array<i32>} : memref<16xi32, #tpu.memory_space<vmem>>, vector<16xi32>,
      tpu.vector_store %arg22[%swap3A_75], %broadcast_in_dim3A_74 {strides = array<i32>} : memref<16xi32, #tpu.memory_space<vmem>>, vector<16xi32>,
      "tpu.region"() ({
        %run_scoped3A = tpu.sem_alloc : memref<!tpu.dma_semaphore, #tpu.memory_space<semaphore_mem>>
        %dma_start3A_77 = arith.constant 0 : i32
        %dma_start3A_78 = tpu.memref_slice %arg10[%arg1, %dma_start3A_77] : memref<16x16xi32, #tpu.memory_space<hbm>> -> memref<1x16xi32, #tpu.memory_space<hbm>>
        %dma_start3A_79 = tpu.memref_squeeze %dma_start3A_78 : memref<1x16xi32, #tpu.memory_space<hbm>> -> memref<16xi32, #tpu.memory_space<hbm>>
        %dma_start3A_80 = arith.constant 0 : i32
        %dma_start3A_81 = tpu.memref_slice %arg10[%arg1, %dma_start3A_80] : memref<16x16xi32, #tpu.memory_space<hbm>> -> memref<1x16xi32, #tpu.memory_space<hbm>>
        %dma_start3A_82 = tpu.memref_squeeze %dma_start3A_81 : memref<1x16xi32, #tpu.memory_space<hbm>> -> memref<16xi32, #tpu.memory_space<hbm>>
        tpu.enqueue_dma source(%arg22 : memref<16xi32, #tpu.memory_space<vmem>>) target(%dma_start3A_82 : memref<16xi32, #tpu.memory_space<hbm>>) target_semaphore(%run_scoped3A : memref<!tpu.dma_semaphore, #tpu.memory_space<semaphore_mem>>)
        %dma_wait3A_83 = arith.constant 0 : i32
        %dma_wait3A_84 = tpu.memref_slice %arg10[%arg1, %dma_wait3A_83] : memref<16x16xi32, #tpu.memory_space<hbm>> -> memref<1x16xi32, #tpu.memory_space<hbm>>
        %dma_wait3A_85 = tpu.memref_squeeze %dma_wait3A_84 : memref<1x16xi32, #tpu.memory_space<hbm>> -> memref<16xi32, #tpu.memory_space<hbm>>
        %dma_wait3A_86 = arith.constant 0 : i32
        %dma_wait3A_87 = tpu.memref_slice %arg10[%arg1, %dma_wait3A_86] : memref<16x16xi32, #tpu.memory_space<hbm>> -> memref<1x16xi32, #tpu.memory_space<hbm>>
        %dma_wait3A_88 = tpu.memref_squeeze %dma_wait3A_87 : memref<1x16xi32, #tpu.memory_space<hbm>> -> memref<16xi32, #tpu.memory_space<hbm>>
        tpu.wait_dma2 semaphore(%run_scoped3A : memref<!tpu.dma_semaphore, #tpu.memory_space<semaphore_mem>>) src(%arg22 : memref<16xi32, #tpu.memory_space<vmem>>) dst(%dma_wait3A_88 : memref<16xi32, #tpu.memory_space<hbm>>)
        tpu.yield
      }) : () -> ()
    } else {
    }
    %barrier3A = arith.constant 0 : index
    tpu.barrier barrier_id(%barrier3A)
    %eq3A_2 = arith.constant 0 : i32
    %eq3A_3 = arith.cmpi eq, %arg0, %eq3A_2 : i32
    %convert_element_type3A_4 = arith.extui %eq3A_3 : i1 to i32
    %cond3A_5 = arith.constant 0 : i32
    %cond3A_6 = arith.cmpi ne, %convert_element_type3A_4, %cond3A_5 : i32
    scf.if %cond3A_6 {
      tpu.enqueue_dma source(%arg8 : memref<32768xi32, #tpu.memory_space<hbm>>) target(%arg18 : memref<32768xi32, #tpu.memory_space<vmem>>) target_semaphore(%arg23 : memref<!tpu.dma_semaphore, #tpu.memory_space<semaphore_mem>>)
      "tpu.region"() ({
        %run_scoped3A = tpu.sem_alloc : memref<!tpu.dma_semaphore, #tpu.memory_space<semaphore_mem>>
        tpu.enqueue_dma source(%arg9 : memref<16x16xi32, #tpu.memory_space<hbm>>) target(%arg19 : memref<16x16xi32, #tpu.memory_space<vmem>>) target_semaphore(%run_scoped3A : memref<!tpu.dma_semaphore, #tpu.memory_space<semaphore_mem>>)
        tpu.wait_dma2 semaphore(%run_scoped3A : memref<!tpu.dma_semaphore, #tpu.memory_space<semaphore_mem>>) src(%arg9 : memref<16x16xi32, #tpu.memory_space<hbm>>) dst(%arg19 : memref<16x16xi32, #tpu.memory_space<vmem>>)
        tpu.yield
      }) : () -> ()
      "tpu.region"() ({
        %run_scoped3A = tpu.sem_alloc : memref<!tpu.dma_semaphore, #tpu.memory_space<semaphore_mem>>
        tpu.enqueue_dma source(%arg10 : memref<16x16xi32, #tpu.memory_space<hbm>>) target(%arg20 : memref<16x16xi32, #tpu.memory_space<vmem>>) target_semaphore(%run_scoped3A : memref<!tpu.dma_semaphore, #tpu.memory_space<semaphore_mem>>)
        tpu.wait_dma2 semaphore(%run_scoped3A : memref<!tpu.dma_semaphore, #tpu.memory_space<semaphore_mem>>) src(%arg10 : memref<16x16xi32, #tpu.memory_space<hbm>>) dst(%arg20 : memref<16x16xi32, #tpu.memory_space<vmem>>)
        tpu.yield
      }) : () -> ()
      %iota3A = tpu.iota {dimensions = array<i32: 0>} : vector<16xi32>
      %broadcast_in_dim3A = arith.constant 0 : i32
      %broadcast_in_dim3A_7 = vector.broadcast %broadcast_in_dim3A : i32 to vector<16xi32>
      %gather3A = tpu.vector_load_idx %arg19[%iota3A, %broadcast_in_dim3A_7] : memref<16x16xi32, #tpu.memory_space<vmem>>[vector<16xi32>, vector<16xi32>], vector<16xi32>,
      %gather3A_8 = tpu.vector_load_idx %arg20[%iota3A, %broadcast_in_dim3A_7] : memref<16x16xi32, #tpu.memory_space<vmem>>[vector<16xi32>, vector<16xi32>], vector<16xi32>,
      %broadcast_in_dim3A_9 = arith.constant true
      %broadcast_in_dim3A_10 = vector.broadcast %broadcast_in_dim3A_9 : i1 to vector<16xi1>
      %masked_cumsum3A = tpu.scan <sum>, %gather3A masked %broadcast_in_dim3A_10 : vector<16xi32>, vector<16xi1> -> vector<16xi32>
      %sub3A = arith.subi %masked_cumsum3A, %gather3A : vector<16xi32>
      %swap3A = arith.constant 0 : index
      %swap3A_11 = tpu.vector_load %arg21[%swap3A] {strides = array<i32>} : memref<16xi32, #tpu.memory_space<vmem>>, vector<16xi32>,
      tpu.vector_store %arg21[%swap3A], %sub3A {strides = array<i32>} : memref<16xi32, #tpu.memory_space<vmem>>, vector<16xi32>,
      %broadcast_in_dim3A_12 = arith.constant true
      %broadcast_in_dim3A_13 = vector.broadcast %broadcast_in_dim3A_12 : i1 to vector<16xi1>
      %masked_cumsum3A_14 = tpu.scan <sum>, %gather3A_8 masked %broadcast_in_dim3A_13 : vector<16xi32>, vector<16xi1> -> vector<16xi32>
      %sub3A_15 = arith.subi %masked_cumsum3A_14, %gather3A_8 : vector<16xi32>
      %swap3A_16 = arith.constant 0 : index
      %swap3A_17 = tpu.vector_load %arg22[%swap3A_16] {strides = array<i32>} : memref<16xi32, #tpu.memory_space<vmem>>, vector<16xi32>,
      tpu.vector_store %arg22[%swap3A_16], %sub3A_15 {strides = array<i32>} : memref<16xi32, #tpu.memory_space<vmem>>, vector<16xi32>,
      %broadcast_in_dim3A_18 = vector.broadcast %arg1 : i32 to vector<16xi32>
      %gather3A_19 = tpu.vector_load_idx %arg22[%broadcast_in_dim3A_18] : memref<16xi32, #tpu.memory_space<vmem>>[vector<16xi32>], vector<16xi32>,
      %get3A = arith.constant 0 : index
      %get3A_20 = tpu.vector_load %arg21[%get3A] {strides = array<i32>} : memref<16xi32, #tpu.memory_space<vmem>>, vector<16xi32>,
      %slice3A = vector.extract_strided_slice %get3A_20 {offsets = [1], sizes = [1], strides = [1]} : vector<16xi32> to vector<1xi32>
      %squeeze3A = vector.extract %slice3A[0] : i32 from vector<1xi32>
      %slice3A_21 = vector.extract_strided_slice %get3A_20 {offsets = [2], sizes = [1], strides = [1]} : vector<16xi32> to vector<1xi32>
      %squeeze3A_22 = vector.extract %slice3A_21[0] : i32 from vector<1xi32>
      %slice3A_23 = vector.extract_strided_slice %get3A_20 {offsets = [3], sizes = [1], strides = [1]} : vector<16xi32> to vector<1xi32>
      %squeeze3A_24 = vector.extract %slice3A_23[0] : i32 from vector<1xi32>
      %slice3A_25 = vector.extract_strided_slice %get3A_20 {offsets = [4], sizes = [1], strides = [1]} : vector<16xi32> to vector<1xi32>
      %squeeze3A_26 = vector.extract %slice3A_25[0] : i32 from vector<1xi32>
      %slice3A_27 = vector.extract_strided_slice %get3A_20 {offsets = [5], sizes = [1], strides = [1]} : vector<16xi32> to vector<1xi32>
      %squeeze3A_28 = vector.extract %slice3A_27[0] : i32 from vector<1xi32>
      %slice3A_29 = vector.extract_strided_slice %get3A_20 {offsets = [6], sizes = [1], strides = [1]} : vector<16xi32> to vector<1xi32>
      %squeeze3A_30 = vector.extract %slice3A_29[0] : i32 from vector<1xi32>
      %slice3A_31 = vector.extract_strided_slice %get3A_20 {offsets = [7], sizes = [1], strides = [1]} : vector<16xi32> to vector<1xi32>
      %squeeze3A_32 = vector.extract %slice3A_31[0] : i32 from vector<1xi32>
      %slice3A_33 = vector.extract_strided_slice %get3A_20 {offsets = [8], sizes = [1], strides = [1]} : vector<16xi32> to vector<1xi32>
      %squeeze3A_34 = vector.extract %slice3A_33[0] : i32 from vector<1xi32>
      %slice3A_35 = vector.extract_strided_slice %get3A_20 {offsets = [9], sizes = [1], strides = [1]} : vector<16xi32> to vector<1xi32>
      %squeeze3A_36 = vector.extract %slice3A_35[0] : i32 from vector<1xi32>
      %slice3A_37 = vector.extract_strided_slice %get3A_20 {offsets = [10], sizes = [1], strides = [1]} : vector<16xi32> to vector<1xi32>
      %squeeze3A_38 = vector.extract %slice3A_37[0] : i32 from vector<1xi32>
      %slice3A_39 = vector.extract_strided_slice %get3A_20 {offsets = [11], sizes = [1], strides = [1]} : vector<16xi32> to vector<1xi32>
      %squeeze3A_40 = vector.extract %slice3A_39[0] : i32 from vector<1xi32>
      %slice3A_41 = vector.extract_strided_slice %get3A_20 {offsets = [12], sizes = [1], strides = [1]} : vector<16xi32> to vector<1xi32>
      %squeeze3A_42 = vector.extract %slice3A_41[0] : i32 from vector<1xi32>
      %slice3A_43 = vector.extract_strided_slice %get3A_20 {offsets = [13], sizes = [1], strides = [1]} : vector<16xi32> to vector<1xi32>
      %squeeze3A_44 = vector.extract %slice3A_43[0] : i32 from vector<1xi32>
      %slice3A_45 = vector.extract_strided_slice %get3A_20 {offsets = [14], sizes = [1], strides = [1]} : vector<16xi32> to vector<1xi32>
      %squeeze3A_46 = vector.extract %slice3A_45[0] : i32 from vector<1xi32>
      %slice3A_47 = vector.extract_strided_slice %get3A_20 {offsets = [15], sizes = [1], strides = [1]} : vector<16xi32> to vector<1xi32>
      %squeeze3A_48 = vector.extract %slice3A_47[0] : i32 from vector<1xi32>
      tpu.wait_dma2 semaphore(%arg23 : memref<!tpu.dma_semaphore, #tpu.memory_space<semaphore_mem>>) src(%arg8 : memref<32768xi32, #tpu.memory_space<hbm>>) dst(%arg18 : memref<32768xi32, #tpu.memory_space<vmem>>)
      %scan3A = arith.constant 0 : i32
      %scan3A_49 = arith.constant 0 : i32
      %scan3A_50 = arith.constant 128 : i32
      %scan3A_51 = arith.addi %scan3A_49, %scan3A_50 : i32
      %scan3A_52 = arith.constant 2 : i32
      scf.for %scan3A_54 = %scan3A_49 to %scan3A_51 step %scan3A_52  : i32 {
        %mul3A = arith.constant 16 : i32
        %mul3A_55 = arith.muli %scan3A_54, %mul3A : i32
        %get3A_56 = arith.index_cast %mul3A_55 : i32 to index
        %get3A_57 = tpu.vector_load %arg16[%get3A_56] {strides = array<i32>} : memref<2048xi32, #tpu.memory_space<vmem>>, vector<16xi32>,
        %sub3A_58 = arith.constant 1 : i32
        %sub3A_59 = vector.broadcast %sub3A_58 : i32 to vector<16xi32>
        %sub3A_60 = arith.subi %get3A_57, %sub3A_59 : vector<16xi32>
        %add3A = arith.addi %sub3A_60, %gather3A_19 : vector<16xi32>
        %broadcast_in_dim3A_61 = arith.constant 0 : i32
        %broadcast_in_dim3A_62 = vector.broadcast %broadcast_in_dim3A_61 : i32 to vector<16xi32>
        %ge3A = vector.broadcast %squeeze3A : i32 to vector<16xi32>
        %ge3A_63 = arith.cmpi sge, %add3A, %ge3A : vector<16xi32>
        %convert_element_type3A_64 = arith.extui %ge3A_63 : vector<16xi1> to vector<16xi32>
        %add3A_65 = arith.addi %broadcast_in_dim3A_62, %convert_element_type3A_64 : vector<16xi32>
        %ge3A_66 = vector.broadcast %squeeze3A_22 : i32 to vector<16xi32>
        %ge3A_67 = arith.cmpi sge, %add3A, %ge3A_66 : vector<16xi32>
        %convert_element_type3A_68 = arith.extui %ge3A_67 : vector<16xi1> to vector<16xi32>
        %add3A_69 = arith.addi %add3A_65, %convert_element_type3A_68 : vector<16xi32>
        %ge3A_70 = vector.broadcast %squeeze3A_24 : i32 to vector<16xi32>
        %ge3A_71 = arith.cmpi sge, %add3A, %ge3A_70 : vector<16xi32>
        %convert_element_type3A_72 = arith.extui %ge3A_71 : vector<16xi1> to vector<16xi32>
        %add3A_73 = arith.addi %add3A_69, %convert_element_type3A_72 : vector<16xi32>
        %ge3A_74 = vector.broadcast %squeeze3A_26 : i32 to vector<16xi32>
        %ge3A_75 = arith.cmpi sge, %add3A, %ge3A_74 : vector<16xi32>
        %convert_element_type3A_76 = arith.extui %ge3A_75 : vector<16xi1> to vector<16xi32>
        %add3A_77 = arith.addi %add3A_73, %convert_element_type3A_76 : vector<16xi32>
        %ge3A_78 = vector.broadcast %squeeze3A_28 : i32 to vector<16xi32>
        %ge3A_79 = arith.cmpi sge, %add3A, %ge3A_78 : vector<16xi32>
        %convert_element_type3A_80 = arith.extui %ge3A_79 : vector<16xi1> to vector<16xi32>
        %add3A_81 = arith.addi %add3A_77, %convert_element_type3A_80 : vector<16xi32>
        %ge3A_82 = vector.broadcast %squeeze3A_30 : i32 to vector<16xi32>
        %ge3A_83 = arith.cmpi sge, %add3A, %ge3A_82 : vector<16xi32>
        %convert_element_type3A_84 = arith.extui %ge3A_83 : vector<16xi1> to vector<16xi32>
        %add3A_85 = arith.addi %add3A_81, %convert_element_type3A_84 : vector<16xi32>
        %ge3A_86 = vector.broadcast %squeeze3A_32 : i32 to vector<16xi32>
        %ge3A_87 = arith.cmpi sge, %add3A, %ge3A_86 : vector<16xi32>
        %convert_element_type3A_88 = arith.extui %ge3A_87 : vector<16xi1> to vector<16xi32>
        %add3A_89 = arith.addi %add3A_85, %convert_element_type3A_88 : vector<16xi32>
        %ge3A_90 = vector.broadcast %squeeze3A_34 : i32 to vector<16xi32>
        %ge3A_91 = arith.cmpi sge, %add3A, %ge3A_90 : vector<16xi32>
        %convert_element_type3A_92 = arith.extui %ge3A_91 : vector<16xi1> to vector<16xi32>
        %add3A_93 = arith.addi %add3A_89, %convert_element_type3A_92 : vector<16xi32>
        %ge3A_94 = vector.broadcast %squeeze3A_36 : i32 to vector<16xi32>
        %ge3A_95 = arith.cmpi sge, %add3A, %ge3A_94 : vector<16xi32>
        %convert_element_type3A_96 = arith.extui %ge3A_95 : vector<16xi1> to vector<16xi32>
        %add3A_97 = arith.addi %add3A_93, %convert_element_type3A_96 : vector<16xi32>
        %ge3A_98 = vector.broadcast %squeeze3A_38 : i32 to vector<16xi32>
        %ge3A_99 = arith.cmpi sge, %add3A, %ge3A_98 : vector<16xi32>
        %convert_element_type3A_100 = arith.extui %ge3A_99 : vector<16xi1> to vector<16xi32>
        %add3A_101 = arith.addi %add3A_97, %convert_element_type3A_100 : vector<16xi32>
        %ge3A_102 = vector.broadcast %squeeze3A_40 : i32 to vector<16xi32>
        %ge3A_103 = arith.cmpi sge, %add3A, %ge3A_102 : vector<16xi32>
        %convert_element_type3A_104 = arith.extui %ge3A_103 : vector<16xi1> to vector<16xi32>
        %add3A_105 = arith.addi %add3A_101, %convert_element_type3A_104 : vector<16xi32>
        %ge3A_106 = vector.broadcast %squeeze3A_42 : i32 to vector<16xi32>
        %ge3A_107 = arith.cmpi sge, %add3A, %ge3A_106 : vector<16xi32>
        %convert_element_type3A_108 = arith.extui %ge3A_107 : vector<16xi1> to vector<16xi32>
        %add3A_109 = arith.addi %add3A_105, %convert_element_type3A_108 : vector<16xi32>
        %ge3A_110 = vector.broadcast %squeeze3A_44 : i32 to vector<16xi32>
        %ge3A_111 = arith.cmpi sge, %add3A, %ge3A_110 : vector<16xi32>
        %convert_element_type3A_112 = arith.extui %ge3A_111 : vector<16xi1> to vector<16xi32>
        %add3A_113 = arith.addi %add3A_109, %convert_element_type3A_112 : vector<16xi32>
        %ge3A_114 = vector.broadcast %squeeze3A_46 : i32 to vector<16xi32>
        %ge3A_115 = arith.cmpi sge, %add3A, %ge3A_114 : vector<16xi32>
        %convert_element_type3A_116 = arith.extui %ge3A_115 : vector<16xi1> to vector<16xi32>
        %add3A_117 = arith.addi %add3A_113, %convert_element_type3A_116 : vector<16xi32>
        %ge3A_118 = vector.broadcast %squeeze3A_48 : i32 to vector<16xi32>
        %ge3A_119 = arith.cmpi sge, %add3A, %ge3A_118 : vector<16xi32>
        %convert_element_type3A_120 = arith.extui %ge3A_119 : vector<16xi1> to vector<16xi32>
        %add3A_121 = arith.addi %add3A_117, %convert_element_type3A_120 : vector<16xi32>
        %gather3A_122 = tpu.vector_load_idx %arg21[%add3A_121] : memref<16xi32, #tpu.memory_space<vmem>>[vector<16xi32>], vector<16xi32>,
        %sub3A_123 = arith.subi %add3A, %gather3A_122 : vector<16xi32>
        %jit3A = arith.constant 0 : i32
        %jit3A_124 = arith.constant 2047 : i32
        %max3A = vector.broadcast %jit3A : i32 to vector<16xi32>
        %max3A_125 = arith.maxsi %max3A, %sub3A_123 : vector<16xi32>
        %min3A = vector.broadcast %jit3A_124 : i32 to vector<16xi32>
        %min3A_126 = arith.minsi %min3A, %max3A_125 : vector<16xi32>
        %mul3A_127 = arith.constant 2048 : i32
        %mul3A_128 = vector.broadcast %mul3A_127 : i32 to vector<16xi32>
        %mul3A_129 = arith.muli %add3A_121, %mul3A_128 : vector<16xi32>
        %add3A_130 = arith.addi %mul3A_129, %min3A_126 : vector<16xi32>
        %gather3A_131 = tpu.vector_load_idx %arg18[%add3A_130] : memref<32768xi32, #tpu.memory_space<vmem>>[vector<16xi32>], vector<16xi32>,
        %mul3A_132 = arith.constant 16 : i32
        %mul3A_133 = arith.muli %scan3A_54, %mul3A_132 : i32
        %get3A_134 = arith.index_cast %mul3A_133 : i32 to index
        %get3A_135 = tpu.vector_load %arg12[%get3A_134] {strides = array<i32>} : memref<2048xi32, #tpu.memory_space<vmem>>, vector<16xi32>,
        %mul3A_136 = arith.constant 16 : i32
        %mul3A_137 = arith.muli %scan3A_54, %mul3A_136 : i32
        %get3A_138 = arith.index_cast %mul3A_137 : i32 to index
        %get3A_139 = tpu.vector_load %arg15[%get3A_138] {strides = array<i32>} : memref<2048xi32, #tpu.memory_space<vmem>>, vector<16xi32>,
        %mul3A_140 = arith.muli %get3A_135, %get3A_139 : vector<16xi32>
        %gt3A = arith.constant 0 : i32
        %gt3A_141 = vector.broadcast %gt3A : i32 to vector<16xi32>
        %gt3A_142 = arith.cmpi sgt, %mul3A_140, %gt3A_141 : vector<16xi32>
        %jit3A_143 = arith.constant -100 : i32
        %broadcast_in_dim3A_144 = vector.broadcast %jit3A_143 : i32 to vector<16xi32>
        %select_n3A = arith.select %gt3A_142, %gather3A_131, %broadcast_in_dim3A_144 : vector<16xi1>, vector<16xi32>
        %mul3A_145 = arith.constant 16 : i32
        %mul3A_146 = arith.muli %scan3A_54, %mul3A_145 : i32
        %swap3A_147 = arith.index_cast %mul3A_146 : i32 to index
        %swap3A_148 = tpu.vector_load %arg11[%swap3A_147] {strides = array<i32>} : memref<2048xi32, #tpu.memory_space<vmem>>, vector<16xi32>,
        tpu.vector_store %arg11[%swap3A_147], %select_n3A {strides = array<i32>} : memref<2048xi32, #tpu.memory_space<vmem>>, vector<16xi32>,
        %scan3A_149 = arith.constant 1 : i32
        %scan3A_150 = arith.addi %scan3A_54, %scan3A_149 : i32
        %mul3A_151 = arith.constant 16 : i32
        %mul3A_152 = arith.muli %scan3A_150, %mul3A_151 : i32
        %get3A_153 = arith.index_cast %mul3A_152 : i32 to index
        %get3A_154 = tpu.vector_load %arg16[%get3A_153] {strides = array<i32>} : memref<2048xi32, #tpu.memory_space<vmem>>, vector<16xi32>,
        %sub3A_155 = arith.constant 1 : i32
        %sub3A_156 = vector.broadcast %sub3A_155 : i32 to vector<16xi32>
        %sub3A_157 = arith.subi %get3A_154, %sub3A_156 : vector<16xi32>
        %add3A_158 = arith.addi %sub3A_157, %gather3A_19 : vector<16xi32>
        %broadcast_in_dim3A_159 = arith.constant 0 : i32
        %broadcast_in_dim3A_160 = vector.broadcast %broadcast_in_dim3A_159 : i32 to vector<16xi32>
        %ge3A_161 = vector.broadcast %squeeze3A : i32 to vector<16xi32>
        %ge3A_162 = arith.cmpi sge, %add3A_158, %ge3A_161 : vector<16xi32>
        %convert_element_type3A_163 = arith.extui %ge3A_162 : vector<16xi1> to vector<16xi32>
        %add3A_164 = arith.addi %broadcast_in_dim3A_160, %convert_element_type3A_163 : vector<16xi32>
        %ge3A_165 = vector.broadcast %squeeze3A_22 : i32 to vector<16xi32>
        %ge3A_166 = arith.cmpi sge, %add3A_158, %ge3A_165 : vector<16xi32>
        %convert_element_type3A_167 = arith.extui %ge3A_166 : vector<16xi1> to vector<16xi32>
        %add3A_168 = arith.addi %add3A_164, %convert_element_type3A_167 : vector<16xi32>
        %ge3A_169 = vector.broadcast %squeeze3A_24 : i32 to vector<16xi32>
        %ge3A_170 = arith.cmpi sge, %add3A_158, %ge3A_169 : vector<16xi32>
        %convert_element_type3A_171 = arith.extui %ge3A_170 : vector<16xi1> to vector<16xi32>
        %add3A_172 = arith.addi %add3A_168, %convert_element_type3A_171 : vector<16xi32>
        %ge3A_173 = vector.broadcast %squeeze3A_26 : i32 to vector<16xi32>
        %ge3A_174 = arith.cmpi sge, %add3A_158, %ge3A_173 : vector<16xi32>
        %convert_element_type3A_175 = arith.extui %ge3A_174 : vector<16xi1> to vector<16xi32>
        %add3A_176 = arith.addi %add3A_172, %convert_element_type3A_175 : vector<16xi32>
        %ge3A_177 = vector.broadcast %squeeze3A_28 : i32 to vector<16xi32>
        %ge3A_178 = arith.cmpi sge, %add3A_158, %ge3A_177 : vector<16xi32>
        %convert_element_type3A_179 = arith.extui %ge3A_178 : vector<16xi1> to vector<16xi32>
        %add3A_180 = arith.addi %add3A_176, %convert_element_type3A_179 : vector<16xi32>
        %ge3A_181 = vector.broadcast %squeeze3A_30 : i32 to vector<16xi32>
        %ge3A_182 = arith.cmpi sge, %add3A_158, %ge3A_181 : vector<16xi32>
        %convert_element_type3A_183 = arith.extui %ge3A_182 : vector<16xi1> to vector<16xi32>
        %add3A_184 = arith.addi %add3A_180, %convert_element_type3A_183 : vector<16xi32>
        %ge3A_185 = vector.broadcast %squeeze3A_32 : i32 to vector<16xi32>
        %ge3A_186 = arith.cmpi sge, %add3A_158, %ge3A_185 : vector<16xi32>
        %convert_element_type3A_187 = arith.extui %ge3A_186 : vector<16xi1> to vector<16xi32>
        %add3A_188 = arith.addi %add3A_184, %convert_element_type3A_187 : vector<16xi32>
        %ge3A_189 = vector.broadcast %squeeze3A_34 : i32 to vector<16xi32>
        %ge3A_190 = arith.cmpi sge, %add3A_158, %ge3A_189 : vector<16xi32>
        %convert_element_type3A_191 = arith.extui %ge3A_190 : vector<16xi1> to vector<16xi32>
        %add3A_192 = arith.addi %add3A_188, %convert_element_type3A_191 : vector<16xi32>
        %ge3A_193 = vector.broadcast %squeeze3A_36 : i32 to vector<16xi32>
        %ge3A_194 = arith.cmpi sge, %add3A_158, %ge3A_193 : vector<16xi32>
        %convert_element_type3A_195 = arith.extui %ge3A_194 : vector<16xi1> to vector<16xi32>
        %add3A_196 = arith.addi %add3A_192, %convert_element_type3A_195 : vector<16xi32>
        %ge3A_197 = vector.broadcast %squeeze3A_38 : i32 to vector<16xi32>
        %ge3A_198 = arith.cmpi sge, %add3A_158, %ge3A_197 : vector<16xi32>
        %convert_element_type3A_199 = arith.extui %ge3A_198 : vector<16xi1> to vector<16xi32>
        %add3A_200 = arith.addi %add3A_196, %convert_element_type3A_199 : vector<16xi32>
        %ge3A_201 = vector.broadcast %squeeze3A_40 : i32 to vector<16xi32>
        %ge3A_202 = arith.cmpi sge, %add3A_158, %ge3A_201 : vector<16xi32>
        %convert_element_type3A_203 = arith.extui %ge3A_202 : vector<16xi1> to vector<16xi32>
        %add3A_204 = arith.addi %add3A_200, %convert_element_type3A_203 : vector<16xi32>
        %ge3A_205 = vector.broadcast %squeeze3A_42 : i32 to vector<16xi32>
        %ge3A_206 = arith.cmpi sge, %add3A_158, %ge3A_205 : vector<16xi32>
        %convert_element_type3A_207 = arith.extui %ge3A_206 : vector<16xi1> to vector<16xi32>
        %add3A_208 = arith.addi %add3A_204, %convert_element_type3A_207 : vector<16xi32>
        %ge3A_209 = vector.broadcast %squeeze3A_44 : i32 to vector<16xi32>
        %ge3A_210 = arith.cmpi sge, %add3A_158, %ge3A_209 : vector<16xi32>
        %convert_element_type3A_211 = arith.extui %ge3A_210 : vector<16xi1> to vector<16xi32>
        %add3A_212 = arith.addi %add3A_208, %convert_element_type3A_211 : vector<16xi32>
        %ge3A_213 = vector.broadcast %squeeze3A_46 : i32 to vector<16xi32>
        %ge3A_214 = arith.cmpi sge, %add3A_158, %ge3A_213 : vector<16xi32>
        %convert_element_type3A_215 = arith.extui %ge3A_214 : vector<16xi1> to vector<16xi32>
        %add3A_216 = arith.addi %add3A_212, %convert_element_type3A_215 : vector<16xi32>
        %ge3A_217 = vector.broadcast %squeeze3A_48 : i32 to vector<16xi32>
        %ge3A_218 = arith.cmpi sge, %add3A_158, %ge3A_217 : vector<16xi32>
        %convert_element_type3A_219 = arith.extui %ge3A_218 : vector<16xi1> to vector<16xi32>
        %add3A_220 = arith.addi %add3A_216, %convert_element_type3A_219 : vector<16xi32>
        %gather3A_221 = tpu.vector_load_idx %arg21[%add3A_220] : memref<16xi32, #tpu.memory_space<vmem>>[vector<16xi32>], vector<16xi32>,
        %sub3A_222 = arith.subi %add3A_158, %gather3A_221 : vector<16xi32>
        %jit3A_223 = arith.constant 0 : i32
        %jit3A_224 = arith.constant 2047 : i32
        %max3A_225 = vector.broadcast %jit3A_223 : i32 to vector<16xi32>
        %max3A_226 = arith.maxsi %max3A_225, %sub3A_222 : vector<16xi32>
        %min3A_227 = vector.broadcast %jit3A_224 : i32 to vector<16xi32>
        %min3A_228 = arith.minsi %min3A_227, %max3A_226 : vector<16xi32>
        %mul3A_229 = arith.constant 2048 : i32
        %mul3A_230 = vector.broadcast %mul3A_229 : i32 to vector<16xi32>
        %mul3A_231 = arith.muli %add3A_220, %mul3A_230 : vector<16xi32>
        %add3A_232 = arith.addi %mul3A_231, %min3A_228 : vector<16xi32>
        %gather3A_233 = tpu.vector_load_idx %arg18[%add3A_232] : memref<32768xi32, #tpu.memory_space<vmem>>[vector<16xi32>], vector<16xi32>,
        %mul3A_234 = arith.constant 16 : i32
        %mul3A_235 = arith.muli %scan3A_150, %mul3A_234 : i32
        %get3A_236 = arith.index_cast %mul3A_235 : i32 to index
        %get3A_237 = tpu.vector_load %arg12[%get3A_236] {strides = array<i32>} : memref<2048xi32, #tpu.memory_space<vmem>>, vector<16xi32>,
        %mul3A_238 = arith.constant 16 : i32
        %mul3A_239 = arith.muli %scan3A_150, %mul3A_238 : i32
        %get3A_240 = arith.index_cast %mul3A_239 : i32 to index
        %get3A_241 = tpu.vector_load %arg15[%get3A_240] {strides = array<i32>} : memref<2048xi32, #tpu.memory_space<vmem>>, vector<16xi32>,
        %mul3A_242 = arith.muli %get3A_237, %get3A_241 : vector<16xi32>
        %gt3A_243 = arith.constant 0 : i32
        %gt3A_244 = vector.broadcast %gt3A_243 : i32 to vector<16xi32>
        %gt3A_245 = arith.cmpi sgt, %mul3A_242, %gt3A_244 : vector<16xi32>
        %jit3A_246 = arith.constant -100 : i32
        %broadcast_in_dim3A_247 = vector.broadcast %jit3A_246 : i32 to vector<16xi32>
        %select_n3A_248 = arith.select %gt3A_245, %gather3A_233, %broadcast_in_dim3A_247 : vector<16xi1>, vector<16xi32>
        %mul3A_249 = arith.constant 16 : i32
        %mul3A_250 = arith.muli %scan3A_150, %mul3A_249 : i32
        %swap3A_251 = arith.index_cast %mul3A_250 : i32 to index
        %swap3A_252 = tpu.vector_load %arg11[%swap3A_251] {strides = array<i32>} : memref<2048xi32, #tpu.memory_space<vmem>>, vector<16xi32>,
        tpu.vector_store %arg11[%swap3A_251], %select_n3A_248 {strides = array<i32>} : memref<2048xi32, #tpu.memory_space<vmem>>, vector<16xi32>,
      }
      %scan3A_53 = arith.constant 128 : i32
      "tpu.region"() ({
        %run_scoped3A = tpu.sem_alloc : memref<!tpu.dma_semaphore, #tpu.memory_space<semaphore_mem>>
        %dma_start3A = arith.constant 0 : i32
        %dma_start3A_54 = tpu.memref_slice %arg6[%arg1, %dma_start3A] : memref<16x2048xi32, #tpu.memory_space<hbm>> -> memref<1x2048xi32, #tpu.memory_space<hbm>>
        %dma_start3A_55 = tpu.memref_squeeze %dma_start3A_54 : memref<1x2048xi32, #tpu.memory_space<hbm>> -> memref<2048xi32, #tpu.memory_space<hbm>>
        %dma_start3A_56 = arith.constant 0 : i32
        %dma_start3A_57 = tpu.memref_slice %arg6[%arg1, %dma_start3A_56] : memref<16x2048xi32, #tpu.memory_space<hbm>> -> memref<1x2048xi32, #tpu.memory_space<hbm>>
        %dma_start3A_58 = tpu.memref_squeeze %dma_start3A_57 : memref<1x2048xi32, #tpu.memory_space<hbm>> -> memref<2048xi32, #tpu.memory_space<hbm>>
        tpu.enqueue_dma source(%arg11 : memref<2048xi32, #tpu.memory_space<vmem>>) target(%dma_start3A_58 : memref<2048xi32, #tpu.memory_space<hbm>>) target_semaphore(%run_scoped3A : memref<!tpu.dma_semaphore, #tpu.memory_space<semaphore_mem>>)
        %dma_wait3A = arith.constant 0 : i32
        %dma_wait3A_59 = tpu.memref_slice %arg6[%arg1, %dma_wait3A] : memref<16x2048xi32, #tpu.memory_space<hbm>> -> memref<1x2048xi32, #tpu.memory_space<hbm>>
        %dma_wait3A_60 = tpu.memref_squeeze %dma_wait3A_59 : memref<1x2048xi32, #tpu.memory_space<hbm>> -> memref<2048xi32, #tpu.memory_space<hbm>>
        %dma_wait3A_61 = arith.constant 0 : i32
        %dma_wait3A_62 = tpu.memref_slice %arg6[%arg1, %dma_wait3A_61] : memref<16x2048xi32, #tpu.memory_space<hbm>> -> memref<1x2048xi32, #tpu.memory_space<hbm>>
        %dma_wait3A_63 = tpu.memref_squeeze %dma_wait3A_62 : memref<1x2048xi32, #tpu.memory_space<hbm>> -> memref<2048xi32, #tpu.memory_space<hbm>>
        tpu.wait_dma2 semaphore(%run_scoped3A : memref<!tpu.dma_semaphore, #tpu.memory_space<semaphore_mem>>) src(%arg11 : memref<2048xi32, #tpu.memory_space<vmem>>) dst(%dma_wait3A_63 : memref<2048xi32, #tpu.memory_space<hbm>>)
        tpu.yield
      }) : () -> ()
      "tpu.region"() ({
        %run_scoped3A = tpu.sem_alloc : memref<!tpu.dma_semaphore, #tpu.memory_space<semaphore_mem>>
        %dma_start3A = arith.constant 0 : i32
        %dma_start3A_54 = tpu.memref_slice %arg7[%arg1, %dma_start3A] : memref<16x2048xi32, #tpu.memory_space<hbm>> -> memref<1x2048xi32, #tpu.memory_space<hbm>>
        %dma_start3A_55 = tpu.memref_squeeze %dma_start3A_54 : memref<1x2048xi32, #tpu.memory_space<hbm>> -> memref<2048xi32, #tpu.memory_space<hbm>>
        %dma_start3A_56 = arith.constant 0 : i32
        %dma_start3A_57 = tpu.memref_slice %arg7[%arg1, %dma_start3A_56] : memref<16x2048xi32, #tpu.memory_space<hbm>> -> memref<1x2048xi32, #tpu.memory_space<hbm>>
        %dma_start3A_58 = tpu.memref_squeeze %dma_start3A_57 : memref<1x2048xi32, #tpu.memory_space<hbm>> -> memref<2048xi32, #tpu.memory_space<hbm>>
        tpu.enqueue_dma source(%arg15 : memref<2048xi32, #tpu.memory_space<vmem>>) target(%dma_start3A_58 : memref<2048xi32, #tpu.memory_space<hbm>>) target_semaphore(%run_scoped3A : memref<!tpu.dma_semaphore, #tpu.memory_space<semaphore_mem>>)
        %dma_wait3A = arith.constant 0 : i32
        %dma_wait3A_59 = tpu.memref_slice %arg7[%arg1, %dma_wait3A] : memref<16x2048xi32, #tpu.memory_space<hbm>> -> memref<1x2048xi32, #tpu.memory_space<hbm>>
        %dma_wait3A_60 = tpu.memref_squeeze %dma_wait3A_59 : memref<1x2048xi32, #tpu.memory_space<hbm>> -> memref<2048xi32, #tpu.memory_space<hbm>>
        %dma_wait3A_61 = arith.constant 0 : i32
        %dma_wait3A_62 = tpu.memref_slice %arg7[%arg1, %dma_wait3A_61] : memref<16x2048xi32, #tpu.memory_space<hbm>> -> memref<1x2048xi32, #tpu.memory_space<hbm>>
        %dma_wait3A_63 = tpu.memref_squeeze %dma_wait3A_62 : memref<1x2048xi32, #tpu.memory_space<hbm>> -> memref<2048xi32, #tpu.memory_space<hbm>>
        tpu.wait_dma2 semaphore(%run_scoped3A : memref<!tpu.dma_semaphore, #tpu.memory_space<semaphore_mem>>) src(%arg15 : memref<2048xi32, #tpu.memory_space<vmem>>) dst(%dma_wait3A_63 : memref<2048xi32, #tpu.memory_space<hbm>>)
        tpu.yield
      }) : () -> ()
    } else {
    }
    return
  }
}

module attributes {stable_mosaic.version = 14 : i64} {
  func.func @_tc_body(%arg0: i32, %arg1: memref<1024x1024xf32, #tpu.memory_space<vmem>>, %arg2: memref<1024x1024xf32, #tpu.memory_space<vmem>>, %arg3: memref<1024x1xf32, #tpu.memory_space<vmem>>, %arg4: memref<1024x64xf32, #tpu.memory_space<vmem>>, %arg5: memref<64x1xf32, #tpu.memory_space<vmem>>, %arg6: memref<1x1x1024xi32, #tpu.memory_space<vmem>>, %arg7: memref<1x1x1024xi32, #tpu.memory_space<vmem>>, %arg8: memref<1x1x1024xi32, #tpu.memory_space<vmem>>, %arg9: memref<1x1x1024xi32, #tpu.memory_space<vmem>>, %arg10: memref<8x128xf32, #tpu.memory_space<vmem>>, %arg11: memref<1024x1024xf32, #tpu.memory_space<vmem>>) attributes {dimension_semantics = [#tpu.dimension_semantics<arbitrary>], iteration_bounds = array<i64: 32>, scalar_prefetch = 0 : i64, scratch_operands = 1 : i64, tpu.core_type = #tpu.core_type<tc>, window_params = [{transform_indices = @transform_0, window_bounds = array<i64: 1024, 1024>}, {pipeline_mode = #tpu.pipeline_mode<synchronous>, transform_indices = @transform_1, window_bounds = array<i64: 1024, 1024>}, {pipeline_mode = #tpu.pipeline_mode<synchronous>, transform_indices = @transform_2, window_bounds = array<i64: 1024, 1>}, {pipeline_mode = #tpu.pipeline_mode<synchronous>, transform_indices = @transform_3, window_bounds = array<i64: 1024, 64>}, {pipeline_mode = #tpu.pipeline_mode<synchronous>, transform_indices = @transform_4, window_bounds = array<i64: 64, 1>}, {transform_indices = @transform_5, window_bounds = array<i64: 1, 1, 1024>}, {transform_indices = @transform_6, window_bounds = array<i64: 1, 1, 1024>}, {transform_indices = @transform_7, window_bounds = array<i64: 1, 1, 1024>}, {transform_indices = @transform_8, window_bounds = array<i64: 1, 1, 1024>}, {pipeline_mode = #tpu.pipeline_mode<synchronous>, transform_indices = @transform_9, window_bounds = array<i64: 8, 128>}]} {
    %eq3A = arith.constant 0 : i32
    %eq3A_0 = arith.cmpi eq, %arg0, %eq3A : i32
    %convert_element_type3A = arith.extui %eq3A_0 : i1 to i32
    %cond3A = arith.constant 0 : i32
    %cond3A_1 = arith.cmpi ne, %convert_element_type3A, %cond3A : i32
    scf.if %cond3A_1 {
      %broadcast_in_dim3A_145 = arith.constant 0.000000e+00 : f32
      %broadcast_in_dim3A_146 = vector.broadcast %broadcast_in_dim3A_145 : f32 to vector<1024x1024xf32>
      %swap3A_147 = arith.constant 0 : index
      %swap3A_148 = arith.constant 0 : index
      %swap3A_149 = vector.load %arg11[%swap3A_147, %swap3A_148] : memref<1024x1024xf32, #tpu.memory_space<vmem>>, vector<1024x1024xf32>
      tpu.vector_store %arg11[%swap3A_147, %swap3A_148], %broadcast_in_dim3A_146 {strides = array<i32>} : memref<1024x1024xf32, #tpu.memory_space<vmem>>, vector<1024x1024xf32>,
      %broadcast_in_dim3A_150 = arith.constant 0.000000e+00 : f32
      %broadcast_in_dim3A_151 = vector.broadcast %broadcast_in_dim3A_150 : f32 to vector<8x128xf32>
      %swap3A_152 = arith.constant 0 : index
      %swap3A_153 = arith.constant 0 : index
      %swap3A_154 = vector.load %arg10[%swap3A_152, %swap3A_153] : memref<8x128xf32, #tpu.memory_space<vmem>>, vector<8x128xf32>
      tpu.vector_store %arg10[%swap3A_152, %swap3A_153], %broadcast_in_dim3A_151 {strides = array<i32>} : memref<8x128xf32, #tpu.memory_space<vmem>>, vector<8x128xf32>,
    } else {
    }
    %get3A = arith.constant 0 : index
    %get3A_2 = arith.constant 0 : index
    %get3A_3 = vector.load %arg11[%get3A, %get3A_2] : memref<1024x1024xf32, #tpu.memory_space<vmem>>, vector<1024x1024xf32>
    %get3A_4 = arith.constant 0 : index
    %get3A_5 = arith.constant 0 : index
    %get3A_6 = vector.load %arg4[%get3A_4, %get3A_5] : memref<1024x64xf32, #tpu.memory_space<vmem>>, vector<1024x64xf32>
    %get3A_7 = arith.constant 0 : index
    %get3A_8 = arith.constant 0 : index
    %get3A_9 = vector.load %arg5[%get3A_7, %get3A_8] : memref<64x1xf32, #tpu.memory_space<vmem>>, vector<64x1xf32>
    %get3A_10 = arith.constant 0 : index
    %get3A_11 = arith.constant 0 : index
    %get3A_12 = arith.constant 0 : index
    %get3A_13 = vector.load %arg6[%get3A_10, %get3A_11, %get3A_12] : memref<1x1x1024xi32, #tpu.memory_space<vmem>>, vector<1x1x1024xi32>
    %get3A_14 = vector.shape_cast %get3A_13 : vector<1x1x1024xi32> to vector<1024xi32>
    %get3A_15 = arith.constant 0 : index
    %get3A_16 = arith.constant 0 : index
    %get3A_17 = arith.constant 0 : index
    %get3A_18 = vector.load %arg7[%get3A_15, %get3A_16, %get3A_17] : memref<1x1x1024xi32, #tpu.memory_space<vmem>>, vector<1x1x1024xi32>
    %get3A_19 = vector.shape_cast %get3A_18 : vector<1x1x1024xi32> to vector<1024xi32>
    %dot_general3A = arith.constant dense<0.000000e+00> : vector<64x1024xf32>
    %dot_general3A_20 = tpu.matmul %get3A_6, %get3A_3, %dot_general3A {dimension_numbers = #tpu.dot_dimension_numbers<[0], [0], [1], [1], [0, 1, 1, 1], [], []>, transpose_lhs_hint = false} : vector<1024x64xf32>, vector<1024x1024xf32>, vector<64x1024xf32> -> vector<64x1024xf32>
    %add3A = vector.broadcast %get3A_9 : vector<64x1xf32> to vector<64x1024xf32>
    %add3A_21 = arith.addf %dot_general3A_20, %add3A : vector<64x1024xf32>
    %reduce_max3A = arith.constant dense<0xFF800000> : vector<1024xf32>
    %reduce_max3A_22 = vector.multi_reduction <maximumf>, %add3A_21, %reduce_max3A [0] : vector<64x1024xf32> to vector<1024xf32>
    %broadcast_in_dim3A = vector.shape_cast %reduce_max3A_22 : vector<1024xf32> to vector<1x1024xf32>
    %sub3A = vector.broadcast %broadcast_in_dim3A : vector<1x1024xf32> to vector<64x1024xf32>
    %sub3A_23 = arith.subf %add3A_21, %sub3A : vector<64x1024xf32>
    %exp3A = math.exp %sub3A_23 : vector<64x1024xf32>
    %reduce_sum3A = arith.constant dense<0.000000e+00> : vector<1024xf32>
    %reduce_sum3A_24 = vector.multi_reduction <add>, %exp3A, %reduce_sum3A [0] : vector<64x1024xf32> to vector<1024xf32>
    %log3A = math.log %reduce_sum3A_24 : vector<1024xf32>
    %add3A_25 = arith.addf %reduce_max3A_22, %log3A : vector<1024xf32>
    %iota3A = tpu.iota {dimensions = array<i32: 0>} : vector<64x1024xi32>
    %broadcast_in_dim3A_26 = vector.shape_cast %get3A_14 : vector<1024xi32> to vector<1x1024xi32>
    %eq3A_27 = vector.broadcast %broadcast_in_dim3A_26 : vector<1x1024xi32> to vector<64x1024xi32>
    %eq3A_28 = arith.cmpi eq, %iota3A, %eq3A_27 : vector<64x1024xi32>
    %jit3A = arith.constant 0.000000e+00 : f32
    %broadcast_in_dim3A_29 = vector.broadcast %jit3A : f32 to vector<64x1024xf32>
    %select_n3A = arith.select %eq3A_28, %add3A_21, %broadcast_in_dim3A_29 : vector<64x1024xi1>, vector<64x1024xf32>
    %reduce_sum3A_30 = arith.constant dense<0.000000e+00> : vector<1024xf32>
    %reduce_sum3A_31 = vector.multi_reduction <add>, %select_n3A, %reduce_sum3A_30 [0] : vector<64x1024xf32> to vector<1024xf32>
    %ne3A = arith.constant -100 : i32
    %ne3A_32 = vector.broadcast %ne3A : i32 to vector<1024xi32>
    %ne3A_33 = arith.cmpi ne, %get3A_14, %ne3A_32 : vector<1024xi32>
    %convert_element_type3A_34 = arith.extui %ne3A_33 : vector<1024xi1> to vector<1024xi32>
    %convert_element_type3A_35 = arith.sitofp %convert_element_type3A_34 : vector<1024xi32> to vector<1024xf32>
    %sub3A_36 = arith.subf %add3A_25, %reduce_sum3A_31 : vector<1024xf32>
    %mul3A = arith.mulf %sub3A_36, %convert_element_type3A_35 : vector<1024xf32>
    %reduce_sum3A_37 = vector.shape_cast %mul3A : vector<1024xf32> to vector<1x1024xf32>
    %reduce_sum3A_38 = arith.constant dense<0.000000e+00> : vector<1xf32>
    %reduce_sum3A_39 = vector.multi_reduction <add>, %reduce_sum3A_37, %reduce_sum3A_38 [1] : vector<1x1024xf32> to vector<1xf32>
    %reduce_sum3A_40 = vector.shape_cast %reduce_sum3A_39 : vector<1xf32> to vector<1x1xf32>
    %reduce_sum3A_41 = vector.extract %reduce_sum3A_40[0, 0] : f32 from vector<1x1xf32>
    %reduce_sum3A_42 = vector.shape_cast %convert_element_type3A_35 : vector<1024xf32> to vector<1x1024xf32>
    %reduce_sum3A_43 = arith.constant dense<0.000000e+00> : vector<1xf32>
    %reduce_sum3A_44 = vector.multi_reduction <add>, %reduce_sum3A_42, %reduce_sum3A_43 [1] : vector<1x1024xf32> to vector<1xf32>
    %reduce_sum3A_45 = vector.shape_cast %reduce_sum3A_44 : vector<1xf32> to vector<1x1xf32>
    %reduce_sum3A_46 = vector.extract %reduce_sum3A_45[0, 0] : f32 from vector<1x1xf32>
    %broadcast_in_dim3A_47 = vector.shape_cast %reduce_max3A_22 : vector<1024xf32> to vector<1x1024xf32>
    %eq3A_48 = vector.broadcast %broadcast_in_dim3A_47 : vector<1x1024xf32> to vector<64x1024xf32>
    %eq3A_49 = arith.cmpf oeq, %add3A_21, %eq3A_48 : vector<64x1024xf32>
    %jit3A_50 = arith.constant 64 : i32
    %broadcast_in_dim3A_51 = vector.broadcast %jit3A_50 : i32 to vector<64x1024xi32>
    %select_n3A_52 = arith.select %eq3A_49, %iota3A, %broadcast_in_dim3A_51 : vector<64x1024xi1>, vector<64x1024xi32>
    %reduce_min3A = arith.constant dense<2147483647> : vector<1024xi32>
    %reduce_min3A_53 = vector.multi_reduction <minsi>, %select_n3A_52, %reduce_min3A [0] : vector<64x1024xi32> to vector<1024xi32>
    %gt3A = arith.constant 0 : i32
    %gt3A_54 = vector.broadcast %gt3A : i32 to vector<1024xi32>
    %gt3A_55 = arith.cmpi sgt, %get3A_19, %gt3A_54 : vector<1024xi32>
    %eq3A_56 = arith.cmpi eq, %reduce_min3A_53, %get3A_14 : vector<1024xi32>
    %and3A = arith.andi %eq3A_56, %gt3A_55 : vector<1024xi1>
    %convert_element_type3A_57 = arith.extui %and3A : vector<1024xi1> to vector<1024xi32>
    %convert_element_type3A_58 = arith.sitofp %convert_element_type3A_57 : vector<1024xi32> to vector<1024xf32>
    %reduce_sum3A_59 = vector.shape_cast %convert_element_type3A_58 : vector<1024xf32> to vector<1x1024xf32>
    %reduce_sum3A_60 = arith.constant dense<0.000000e+00> : vector<1xf32>
    %reduce_sum3A_61 = vector.multi_reduction <add>, %reduce_sum3A_59, %reduce_sum3A_60 [1] : vector<1x1024xf32> to vector<1xf32>
    %reduce_sum3A_62 = vector.shape_cast %reduce_sum3A_61 : vector<1xf32> to vector<1x1xf32>
    %reduce_sum3A_63 = vector.extract %reduce_sum3A_62[0, 0] : f32 from vector<1x1xf32>
    %convert_element_type3A_64 = arith.extui %gt3A_55 : vector<1024xi1> to vector<1024xi32>
    %convert_element_type3A_65 = arith.sitofp %convert_element_type3A_64 : vector<1024xi32> to vector<1024xf32>
    %reduce_sum3A_66 = vector.shape_cast %convert_element_type3A_65 : vector<1024xf32> to vector<1x1024xf32>
    %reduce_sum3A_67 = arith.constant dense<0.000000e+00> : vector<1xf32>
    %reduce_sum3A_68 = vector.multi_reduction <add>, %reduce_sum3A_66, %reduce_sum3A_67 [1] : vector<1x1024xf32> to vector<1xf32>
    %reduce_sum3A_69 = vector.shape_cast %reduce_sum3A_68 : vector<1xf32> to vector<1x1xf32>
    %reduce_sum3A_70 = vector.extract %reduce_sum3A_69[0, 0] : f32 from vector<1x1xf32>
    %iota3A_71 = tpu.iota {dimensions = array<i32: 0>} : vector<8x128xi32>
    %iota3A_72 = tpu.iota {dimensions = array<i32: 1>} : vector<8x128xi32>
    %eq3A_73 = arith.constant 0 : i32
    %eq3A_74 = vector.broadcast %eq3A_73 : i32 to vector<8x128xi32>
    %eq3A_75 = arith.cmpi eq, %iota3A_71, %eq3A_74 : vector<8x128xi32>
    %eq3A_76 = arith.constant 0 : i32
    %eq3A_77 = vector.broadcast %eq3A_76 : i32 to vector<8x128xi32>
    %eq3A_78 = arith.cmpi eq, %iota3A_72, %eq3A_77 : vector<8x128xi32>
    %and3A_79 = arith.andi %eq3A_75, %eq3A_78 : vector<8x128xi1>
    %jit3A_80 = arith.constant 0.000000e+00 : f32
    %broadcast_in_dim3A_81 = vector.broadcast %reduce_sum3A_41 : f32 to vector<8x128xf32>
    %broadcast_in_dim3A_82 = vector.broadcast %jit3A_80 : f32 to vector<8x128xf32>
    %select_n3A_83 = arith.select %and3A_79, %broadcast_in_dim3A_81, %broadcast_in_dim3A_82 : vector<8x128xi1>, vector<8x128xf32>
    %eq3A_84 = arith.constant 1 : i32
    %eq3A_85 = vector.broadcast %eq3A_84 : i32 to vector<8x128xi32>
    %eq3A_86 = arith.cmpi eq, %iota3A_72, %eq3A_85 : vector<8x128xi32>
    %and3A_87 = arith.andi %eq3A_75, %eq3A_86 : vector<8x128xi1>
    %jit3A_88 = arith.constant 0.000000e+00 : f32
    %broadcast_in_dim3A_89 = vector.broadcast %reduce_sum3A_46 : f32 to vector<8x128xf32>
    %broadcast_in_dim3A_90 = vector.broadcast %jit3A_88 : f32 to vector<8x128xf32>
    %select_n3A_91 = arith.select %and3A_87, %broadcast_in_dim3A_89, %broadcast_in_dim3A_90 : vector<8x128xi1>, vector<8x128xf32>
    %add3A_92 = arith.addf %select_n3A_83, %select_n3A_91 : vector<8x128xf32>
    %eq3A_93 = arith.constant 2 : i32
    %eq3A_94 = vector.broadcast %eq3A_93 : i32 to vector<8x128xi32>
    %eq3A_95 = arith.cmpi eq, %iota3A_72, %eq3A_94 : vector<8x128xi32>
    %and3A_96 = arith.andi %eq3A_75, %eq3A_95 : vector<8x128xi1>
    %jit3A_97 = arith.constant 0.000000e+00 : f32
    %broadcast_in_dim3A_98 = vector.broadcast %reduce_sum3A_63 : f32 to vector<8x128xf32>
    %broadcast_in_dim3A_99 = vector.broadcast %jit3A_97 : f32 to vector<8x128xf32>
    %select_n3A_100 = arith.select %and3A_96, %broadcast_in_dim3A_98, %broadcast_in_dim3A_99 : vector<8x128xi1>, vector<8x128xf32>
    %add3A_101 = arith.addf %add3A_92, %select_n3A_100 : vector<8x128xf32>
    %eq3A_102 = arith.constant 3 : i32
    %eq3A_103 = vector.broadcast %eq3A_102 : i32 to vector<8x128xi32>
    %eq3A_104 = arith.cmpi eq, %iota3A_72, %eq3A_103 : vector<8x128xi32>
    %and3A_105 = arith.andi %eq3A_75, %eq3A_104 : vector<8x128xi1>
    %jit3A_106 = arith.constant 0.000000e+00 : f32
    %broadcast_in_dim3A_107 = vector.broadcast %reduce_sum3A_70 : f32 to vector<8x128xf32>
    %broadcast_in_dim3A_108 = vector.broadcast %jit3A_106 : f32 to vector<8x128xf32>
    %select_n3A_109 = arith.select %and3A_105, %broadcast_in_dim3A_107, %broadcast_in_dim3A_108 : vector<8x128xi1>, vector<8x128xf32>
    %add3A_110 = arith.addf %add3A_101, %select_n3A_109 : vector<8x128xf32>
    %gt3A_111 = arith.constant 0 : i32
    %gt3A_112 = arith.cmpi sgt, %arg0, %gt3A_111 : i32
    %jit3A_113 = arith.constant 1.000000e+00 : f32
    %jit3A_114 = arith.constant 0.000000e+00 : f32
    %select_n3A_115 = arith.select %gt3A_112, %jit3A_113, %jit3A_114 : f32
    %get3A_116 = arith.constant 0 : index
    %get3A_117 = arith.constant 0 : index
    %get3A_118 = vector.load %arg10[%get3A_116, %get3A_117] : memref<8x128xf32, #tpu.memory_space<vmem>>, vector<8x128xf32>
    %mul3A_119 = vector.broadcast %select_n3A_115 : f32 to vector<8x128xf32>
    %mul3A_120 = arith.mulf %add3A_110, %mul3A_119 : vector<8x128xf32>
    %add3A_121 = arith.addf %get3A_118, %mul3A_120 : vector<8x128xf32>
    %swap3A = arith.constant 0 : index
    %swap3A_122 = arith.constant 0 : index
    %swap3A_123 = vector.load %arg10[%swap3A, %swap3A_122] : memref<8x128xf32, #tpu.memory_space<vmem>>, vector<8x128xf32>
    tpu.vector_store %arg10[%swap3A, %swap3A_122], %add3A_121 {strides = array<i32>} : memref<8x128xf32, #tpu.memory_space<vmem>>, vector<8x128xf32>,
    %get3A_124 = arith.constant 0 : index
    %get3A_125 = arith.constant 0 : index
    %get3A_126 = vector.load %arg2[%get3A_124, %get3A_125] : memref<1024x1024xf32, #tpu.memory_space<vmem>>, vector<1024x1024xf32>
    %get3A_127 = arith.constant 0 : index
    %get3A_128 = arith.constant 0 : index
    %get3A_129 = vector.load %arg1[%get3A_127, %get3A_128] : memref<1024x1024xf32, #tpu.memory_space<vmem>>, vector<1024x1024xf32>
    %dot_general3A_130 = arith.constant dense<0.000000e+00> : vector<1024x1024xf32>
    %dot_general3A_131 = tpu.matmul %get3A_126, %get3A_129, %dot_general3A_130 {dimension_numbers = #tpu.dot_dimension_numbers<[0], [1], [1], [0], [0, 1, 1, 0], [], []>, transpose_lhs_hint = false} : vector<1024x1024xf32>, vector<1024x1024xf32>, vector<1024x1024xf32> -> vector<1024x1024xf32>
    %get3A_132 = arith.constant 0 : index
    %get3A_133 = arith.constant 0 : index
    %get3A_134 = vector.load %arg3[%get3A_132, %get3A_133] : memref<1024x1xf32, #tpu.memory_space<vmem>>, vector<1024x1xf32>
    %add3A_135 = vector.broadcast %get3A_134 : vector<1024x1xf32> to vector<1024x1024xf32>
    %add3A_136 = arith.addf %dot_general3A_131, %add3A_135 : vector<1024x1024xf32>
    %tanh3A = math.tanh %add3A_136 : vector<1024x1024xf32>
    %swap3A_137 = arith.constant 0 : index
    %swap3A_138 = arith.constant 0 : index
    %swap3A_139 = vector.load %arg11[%swap3A_137, %swap3A_138] : memref<1024x1024xf32, #tpu.memory_space<vmem>>, vector<1024x1024xf32>
    tpu.vector_store %arg11[%swap3A_137, %swap3A_138], %tanh3A {strides = array<i32>} : memref<1024x1024xf32, #tpu.memory_space<vmem>>, vector<1024x1024xf32>,
    %eq3A_140 = arith.constant 31 : i32
    %eq3A_141 = arith.cmpi eq, %arg0, %eq3A_140 : i32
    %convert_element_type3A_142 = arith.extui %eq3A_141 : i1 to i32
    %cond3A_143 = arith.constant 0 : i32
    %cond3A_144 = arith.cmpi ne, %convert_element_type3A_142, %cond3A_143 : i32
    scf.if %cond3A_144 {
      %get3A_145 = arith.constant 0 : index
      %get3A_146 = arith.constant 0 : index
      %get3A_147 = vector.load %arg10[%get3A_145, %get3A_146] : memref<8x128xf32, #tpu.memory_space<vmem>>, vector<8x128xf32>
      %get3A_148 = arith.constant 0 : index
      %get3A_149 = arith.constant 0 : index
      %get3A_150 = vector.load %arg11[%get3A_148, %get3A_149] : memref<1024x1024xf32, #tpu.memory_space<vmem>>, vector<1024x1024xf32>
      %get3A_151 = arith.constant 0 : index
      %get3A_152 = arith.constant 0 : index
      %get3A_153 = vector.load %arg4[%get3A_151, %get3A_152] : memref<1024x64xf32, #tpu.memory_space<vmem>>, vector<1024x64xf32>
      %get3A_154 = arith.constant 0 : index
      %get3A_155 = arith.constant 0 : index
      %get3A_156 = vector.load %arg5[%get3A_154, %get3A_155] : memref<64x1xf32, #tpu.memory_space<vmem>>, vector<64x1xf32>
      %get3A_157 = arith.constant 0 : index
      %get3A_158 = arith.constant 0 : index
      %get3A_159 = arith.constant 0 : index
      %get3A_160 = vector.load %arg8[%get3A_157, %get3A_158, %get3A_159] : memref<1x1x1024xi32, #tpu.memory_space<vmem>>, vector<1x1x1024xi32>
      %get3A_161 = vector.shape_cast %get3A_160 : vector<1x1x1024xi32> to vector<1024xi32>
      %get3A_162 = arith.constant 0 : index
      %get3A_163 = arith.constant 0 : index
      %get3A_164 = arith.constant 0 : index
      %get3A_165 = vector.load %arg9[%get3A_162, %get3A_163, %get3A_164] : memref<1x1x1024xi32, #tpu.memory_space<vmem>>, vector<1x1x1024xi32>
      %get3A_166 = vector.shape_cast %get3A_165 : vector<1x1x1024xi32> to vector<1024xi32>
      %dot_general3A_167 = arith.constant dense<0.000000e+00> : vector<64x1024xf32>
      %dot_general3A_168 = tpu.matmul %get3A_153, %get3A_150, %dot_general3A_167 {dimension_numbers = #tpu.dot_dimension_numbers<[0], [0], [1], [1], [0, 1, 1, 1], [], []>, transpose_lhs_hint = false} : vector<1024x64xf32>, vector<1024x1024xf32>, vector<64x1024xf32> -> vector<64x1024xf32>
      %add3A_169 = vector.broadcast %get3A_156 : vector<64x1xf32> to vector<64x1024xf32>
      %add3A_170 = arith.addf %dot_general3A_168, %add3A_169 : vector<64x1024xf32>
      %reduce_max3A_171 = arith.constant dense<0xFF800000> : vector<1024xf32>
      %reduce_max3A_172 = vector.multi_reduction <maximumf>, %add3A_170, %reduce_max3A_171 [0] : vector<64x1024xf32> to vector<1024xf32>
      %broadcast_in_dim3A_173 = vector.shape_cast %reduce_max3A_172 : vector<1024xf32> to vector<1x1024xf32>
      %sub3A_174 = vector.broadcast %broadcast_in_dim3A_173 : vector<1x1024xf32> to vector<64x1024xf32>
      %sub3A_175 = arith.subf %add3A_170, %sub3A_174 : vector<64x1024xf32>
      %exp3A_176 = math.exp %sub3A_175 : vector<64x1024xf32>
      %reduce_sum3A_177 = arith.constant dense<0.000000e+00> : vector<1024xf32>
      %reduce_sum3A_178 = vector.multi_reduction <add>, %exp3A_176, %reduce_sum3A_177 [0] : vector<64x1024xf32> to vector<1024xf32>
      %log3A_179 = math.log %reduce_sum3A_178 : vector<1024xf32>
      %add3A_180 = arith.addf %reduce_max3A_172, %log3A_179 : vector<1024xf32>
      %iota3A_181 = tpu.iota {dimensions = array<i32: 0>} : vector<64x1024xi32>
      %broadcast_in_dim3A_182 = vector.shape_cast %get3A_161 : vector<1024xi32> to vector<1x1024xi32>
      %eq3A_183 = vector.broadcast %broadcast_in_dim3A_182 : vector<1x1024xi32> to vector<64x1024xi32>
      %eq3A_184 = arith.cmpi eq, %iota3A_181, %eq3A_183 : vector<64x1024xi32>
      %jit3A_185 = arith.constant 0.000000e+00 : f32
      %broadcast_in_dim3A_186 = vector.broadcast %jit3A_185 : f32 to vector<64x1024xf32>
      %select_n3A_187 = arith.select %eq3A_184, %add3A_170, %broadcast_in_dim3A_186 : vector<64x1024xi1>, vector<64x1024xf32>
      %reduce_sum3A_188 = arith.constant dense<0.000000e+00> : vector<1024xf32>
      %reduce_sum3A_189 = vector.multi_reduction <add>, %select_n3A_187, %reduce_sum3A_188 [0] : vector<64x1024xf32> to vector<1024xf32>
      %ne3A_190 = arith.constant -100 : i32
      %ne3A_191 = vector.broadcast %ne3A_190 : i32 to vector<1024xi32>
      %ne3A_192 = arith.cmpi ne, %get3A_161, %ne3A_191 : vector<1024xi32>
      %convert_element_type3A_193 = arith.extui %ne3A_192 : vector<1024xi1> to vector<1024xi32>
      %convert_element_type3A_194 = arith.sitofp %convert_element_type3A_193 : vector<1024xi32> to vector<1024xf32>
      %sub3A_195 = arith.subf %add3A_180, %reduce_sum3A_189 : vector<1024xf32>
      %mul3A_196 = arith.mulf %sub3A_195, %convert_element_type3A_194 : vector<1024xf32>
      %reduce_sum3A_197 = vector.shape_cast %mul3A_196 : vector<1024xf32> to vector<1x1024xf32>
      %reduce_sum3A_198 = arith.constant dense<0.000000e+00> : vector<1xf32>
      %reduce_sum3A_199 = vector.multi_reduction <add>, %reduce_sum3A_197, %reduce_sum3A_198 [1] : vector<1x1024xf32> to vector<1xf32>
      %reduce_sum3A_200 = vector.shape_cast %reduce_sum3A_199 : vector<1xf32> to vector<1x1xf32>
      %reduce_sum3A_201 = vector.extract %reduce_sum3A_200[0, 0] : f32 from vector<1x1xf32>
      %reduce_sum3A_202 = vector.shape_cast %convert_element_type3A_194 : vector<1024xf32> to vector<1x1024xf32>
      %reduce_sum3A_203 = arith.constant dense<0.000000e+00> : vector<1xf32>
      %reduce_sum3A_204 = vector.multi_reduction <add>, %reduce_sum3A_202, %reduce_sum3A_203 [1] : vector<1x1024xf32> to vector<1xf32>
      %reduce_sum3A_205 = vector.shape_cast %reduce_sum3A_204 : vector<1xf32> to vector<1x1xf32>
      %reduce_sum3A_206 = vector.extract %reduce_sum3A_205[0, 0] : f32 from vector<1x1xf32>
      %broadcast_in_dim3A_207 = vector.shape_cast %reduce_max3A_172 : vector<1024xf32> to vector<1x1024xf32>
      %eq3A_208 = vector.broadcast %broadcast_in_dim3A_207 : vector<1x1024xf32> to vector<64x1024xf32>
      %eq3A_209 = arith.cmpf oeq, %add3A_170, %eq3A_208 : vector<64x1024xf32>
      %jit3A_210 = arith.constant 64 : i32
      %broadcast_in_dim3A_211 = vector.broadcast %jit3A_210 : i32 to vector<64x1024xi32>
      %select_n3A_212 = arith.select %eq3A_209, %iota3A_181, %broadcast_in_dim3A_211 : vector<64x1024xi1>, vector<64x1024xi32>
      %reduce_min3A_213 = arith.constant dense<2147483647> : vector<1024xi32>
      %reduce_min3A_214 = vector.multi_reduction <minsi>, %select_n3A_212, %reduce_min3A_213 [0] : vector<64x1024xi32> to vector<1024xi32>
      %gt3A_215 = arith.constant 0 : i32
      %gt3A_216 = vector.broadcast %gt3A_215 : i32 to vector<1024xi32>
      %gt3A_217 = arith.cmpi sgt, %get3A_166, %gt3A_216 : vector<1024xi32>
      %eq3A_218 = arith.cmpi eq, %reduce_min3A_214, %get3A_161 : vector<1024xi32>
      %and3A_219 = arith.andi %eq3A_218, %gt3A_217 : vector<1024xi1>
      %convert_element_type3A_220 = arith.extui %and3A_219 : vector<1024xi1> to vector<1024xi32>
      %convert_element_type3A_221 = arith.sitofp %convert_element_type3A_220 : vector<1024xi32> to vector<1024xf32>
      %reduce_sum3A_222 = vector.shape_cast %convert_element_type3A_221 : vector<1024xf32> to vector<1x1024xf32>
      %reduce_sum3A_223 = arith.constant dense<0.000000e+00> : vector<1xf32>
      %reduce_sum3A_224 = vector.multi_reduction <add>, %reduce_sum3A_222, %reduce_sum3A_223 [1] : vector<1x1024xf32> to vector<1xf32>
      %reduce_sum3A_225 = vector.shape_cast %reduce_sum3A_224 : vector<1xf32> to vector<1x1xf32>
      %reduce_sum3A_226 = vector.extract %reduce_sum3A_225[0, 0] : f32 from vector<1x1xf32>
      %convert_element_type3A_227 = arith.extui %gt3A_217 : vector<1024xi1> to vector<1024xi32>
      %convert_element_type3A_228 = arith.sitofp %convert_element_type3A_227 : vector<1024xi32> to vector<1024xf32>
      %reduce_sum3A_229 = vector.shape_cast %convert_element_type3A_228 : vector<1024xf32> to vector<1x1024xf32>
      %reduce_sum3A_230 = arith.constant dense<0.000000e+00> : vector<1xf32>
      %reduce_sum3A_231 = vector.multi_reduction <add>, %reduce_sum3A_229, %reduce_sum3A_230 [1] : vector<1x1024xf32> to vector<1xf32>
      %reduce_sum3A_232 = vector.shape_cast %reduce_sum3A_231 : vector<1xf32> to vector<1x1xf32>
      %reduce_sum3A_233 = vector.extract %reduce_sum3A_232[0, 0] : f32 from vector<1x1xf32>
      %iota3A_234 = tpu.iota {dimensions = array<i32: 0>} : vector<8x128xi32>
      %iota3A_235 = tpu.iota {dimensions = array<i32: 1>} : vector<8x128xi32>
      %eq3A_236 = arith.constant 0 : i32
      %eq3A_237 = vector.broadcast %eq3A_236 : i32 to vector<8x128xi32>
      %eq3A_238 = arith.cmpi eq, %iota3A_234, %eq3A_237 : vector<8x128xi32>
      %eq3A_239 = arith.constant 0 : i32
      %eq3A_240 = vector.broadcast %eq3A_239 : i32 to vector<8x128xi32>
      %eq3A_241 = arith.cmpi eq, %iota3A_235, %eq3A_240 : vector<8x128xi32>
      %and3A_242 = arith.andi %eq3A_238, %eq3A_241 : vector<8x128xi1>
      %jit3A_243 = arith.constant 0.000000e+00 : f32
      %broadcast_in_dim3A_244 = vector.broadcast %reduce_sum3A_201 : f32 to vector<8x128xf32>
      %broadcast_in_dim3A_245 = vector.broadcast %jit3A_243 : f32 to vector<8x128xf32>
      %select_n3A_246 = arith.select %and3A_242, %broadcast_in_dim3A_244, %broadcast_in_dim3A_245 : vector<8x128xi1>, vector<8x128xf32>
      %eq3A_247 = arith.constant 1 : i32
      %eq3A_248 = vector.broadcast %eq3A_247 : i32 to vector<8x128xi32>
      %eq3A_249 = arith.cmpi eq, %iota3A_235, %eq3A_248 : vector<8x128xi32>
      %and3A_250 = arith.andi %eq3A_238, %eq3A_249 : vector<8x128xi1>
      %jit3A_251 = arith.constant 0.000000e+00 : f32
      %broadcast_in_dim3A_252 = vector.broadcast %reduce_sum3A_206 : f32 to vector<8x128xf32>
      %broadcast_in_dim3A_253 = vector.broadcast %jit3A_251 : f32 to vector<8x128xf32>
      %select_n3A_254 = arith.select %and3A_250, %broadcast_in_dim3A_252, %broadcast_in_dim3A_253 : vector<8x128xi1>, vector<8x128xf32>
      %add3A_255 = arith.addf %select_n3A_246, %select_n3A_254 : vector<8x128xf32>
      %eq3A_256 = arith.constant 2 : i32
      %eq3A_257 = vector.broadcast %eq3A_256 : i32 to vector<8x128xi32>
      %eq3A_258 = arith.cmpi eq, %iota3A_235, %eq3A_257 : vector<8x128xi32>
      %and3A_259 = arith.andi %eq3A_238, %eq3A_258 : vector<8x128xi1>
      %jit3A_260 = arith.constant 0.000000e+00 : f32
      %broadcast_in_dim3A_261 = vector.broadcast %reduce_sum3A_226 : f32 to vector<8x128xf32>
      %broadcast_in_dim3A_262 = vector.broadcast %jit3A_260 : f32 to vector<8x128xf32>
      %select_n3A_263 = arith.select %and3A_259, %broadcast_in_dim3A_261, %broadcast_in_dim3A_262 : vector<8x128xi1>, vector<8x128xf32>
      %add3A_264 = arith.addf %add3A_255, %select_n3A_263 : vector<8x128xf32>
      %eq3A_265 = arith.constant 3 : i32
      %eq3A_266 = vector.broadcast %eq3A_265 : i32 to vector<8x128xi32>
      %eq3A_267 = arith.cmpi eq, %iota3A_235, %eq3A_266 : vector<8x128xi32>
      %and3A_268 = arith.andi %eq3A_238, %eq3A_267 : vector<8x128xi1>
      %jit3A_269 = arith.constant 0.000000e+00 : f32
      %broadcast_in_dim3A_270 = vector.broadcast %reduce_sum3A_233 : f32 to vector<8x128xf32>
      %broadcast_in_dim3A_271 = vector.broadcast %jit3A_269 : f32 to vector<8x128xf32>
      %select_n3A_272 = arith.select %and3A_268, %broadcast_in_dim3A_270, %broadcast_in_dim3A_271 : vector<8x128xi1>, vector<8x128xf32>
      %add3A_273 = arith.addf %add3A_264, %select_n3A_272 : vector<8x128xf32>
      %add3A_274 = arith.addf %get3A_147, %add3A_273 : vector<8x128xf32>
      %swap3A_275 = arith.constant 0 : index
      %swap3A_276 = arith.constant 0 : index
      %swap3A_277 = vector.load %arg10[%swap3A_275, %swap3A_276] : memref<8x128xf32, #tpu.memory_space<vmem>>, vector<8x128xf32>
      tpu.vector_store %arg10[%swap3A_275, %swap3A_276], %add3A_274 {strides = array<i32>} : memref<8x128xf32, #tpu.memory_space<vmem>>, vector<8x128xf32>,
    } else {
    }
    return
  }
  func.func @transform_0(%arg0: i32) -> (i32, i32) {
    %c0_i32 = arith.constant 0 : i32
    %c0_i32_0 = arith.constant 0 : i32
    return %arg0, %c0_i32 : i32, i32
  }
  func.func @transform_1(%arg0: i32) -> (i32, i32) {
    %c0_i32 = arith.constant 0 : i32
    %c0_i32_0 = arith.constant 0 : i32
    %c0_i32_1 = arith.constant 0 : i32
    return %c0_i32, %c0_i32_0 : i32, i32
  }
  func.func @transform_2(%arg0: i32) -> (i32, i32) {
    %c0_i32 = arith.constant 0 : i32
    %c0_i32_0 = arith.constant 0 : i32
    %c0_i32_1 = arith.constant 0 : i32
    return %c0_i32, %c0_i32_0 : i32, i32
  }
  func.func @transform_3(%arg0: i32) -> (i32, i32) {
    %c0_i32 = arith.constant 0 : i32
    %c0_i32_0 = arith.constant 0 : i32
    %c0_i32_1 = arith.constant 0 : i32
    return %c0_i32, %c0_i32_0 : i32, i32
  }
  func.func @transform_4(%arg0: i32) -> (i32, i32) {
    %c0_i32 = arith.constant 0 : i32
    %c0_i32_0 = arith.constant 0 : i32
    %c0_i32_1 = arith.constant 0 : i32
    return %c0_i32, %c0_i32_0 : i32, i32
  }
  func.func @transform_5(%arg0: i32) -> (i32, i32, i32) {
    %sub3A = arith.constant 1 : i32
    %sub3A_0 = arith.subi %arg0, %sub3A : i32
    %max3A = arith.constant 0 : i32
    %max3A_1 = arith.maxsi %sub3A_0, %max3A : i32
    %c0_i32 = arith.constant 0 : i32
    %c0_i32_2 = arith.constant 0 : i32
    %c0_i32_3 = arith.constant 0 : i32
    return %max3A_1, %c0_i32, %c0_i32_2 : i32, i32, i32
  }
  func.func @transform_6(%arg0: i32) -> (i32, i32, i32) {
    %sub3A = arith.constant 1 : i32
    %sub3A_0 = arith.subi %arg0, %sub3A : i32
    %max3A = arith.constant 0 : i32
    %max3A_1 = arith.maxsi %sub3A_0, %max3A : i32
    %c0_i32 = arith.constant 0 : i32
    %c0_i32_2 = arith.constant 0 : i32
    %c0_i32_3 = arith.constant 0 : i32
    return %max3A_1, %c0_i32, %c0_i32_2 : i32, i32, i32
  }
  func.func @transform_7(%arg0: i32) -> (i32, i32, i32) {
    %c0_i32 = arith.constant 0 : i32
    %c0_i32_0 = arith.constant 0 : i32
    %c0_i32_1 = arith.constant 0 : i32
    return %arg0, %c0_i32, %c0_i32_0 : i32, i32, i32
  }
  func.func @transform_8(%arg0: i32) -> (i32, i32, i32) {
    %c0_i32 = arith.constant 0 : i32
    %c0_i32_0 = arith.constant 0 : i32
    %c0_i32_1 = arith.constant 0 : i32
    return %arg0, %c0_i32, %c0_i32_0 : i32, i32, i32
  }
  func.func @transform_9(%arg0: i32) -> (i32, i32) {
    %c0_i32 = arith.constant 0 : i32
    %c0_i32_0 = arith.constant 0 : i32
    %c0_i32_1 = arith.constant 0 : i32
    return %c0_i32, %c0_i32_0 : i32, i32
  }
}

</mosaic_0001>

<sc_bundles>
// kernel: kernel.4.cloned.1.call-start
scs
__scs_entry_jumppad:
0x0: {  	(pc) =	sbr.rel $0x88, $3  }
0x1: {  	(tag) =	ssettag $0x0;
	lr =	simm.s32 $0x1  }
0x2: {  	[smem:$0x3F98] =	sst lr;
	_ =	strace $0xD0000000  }
0x3: {  	_ = 	snop  }
0x4: {  	_ = 	snop  }
0x5: {  	_ = 	snop  }
0x6: {  	_ = 	snop  }
0x7: {  	_ = 	snop  }
__scs_overlays_trampoline_lowered:
0x8: {  	[smem:$0x3FA7] =	sst s0  }
0x9: {  	[smem:$0x3FA8] =	sst s1  }
0xa: {  	[smem:$0x3FA9] =	sst s2  }
0xb: {  	[smem:$0x3FAA] =	sst s3  }
0xc: {  	[smem:$0x3FAB] =	sst s4  }
0xd: {  	[smem:$0x3FAC] =	sst s5  }
0xe: {  	[smem:$0x3FAD] =	sst s6  }
0xf: {  	[smem:$0x3FAE] =	sst s7  }
0x10: {  	[smem:$0x3FAF] =	sst s8  }
0x11: {  	[smem:$0x3FB0] =	sst s9;
	s0 =	simm.s32 @!p0 $0x0  }
0x12: {  	s1 =	sld [smem:$0x3F96];
	s0 =	simm.s32 @p0 $0x1  }
0x13: {  	[smem:$0x3FB1] =	sst s0;
	s0 =	simm.s32 @!p1 $0x0  }
0x14: {  	s2 =	sld [smem:$0x3F95];
	s0 =	simm.s32 @p1 $0x1  }
0x15: {  	[smem:$0x3FB2] =	sst s0;
	s0 =	simm.s32 @!p2 $0x0  }
0x16: {  	s3 =	sld [smem:$0x3FDB];
	s0 =	simm.s32 @p2 $0x1  }
0x17: {  	s4 =	simm.s32 $0x1BF5;
	[smem:$0x3FB4] =	sst s0  }
0x18: {  	s0 =	sld [smem:$0x3F97];
	_ =	swait.ge [sflag:s4], $0x0  }
0x19: {  	s7 =	sld [smem:$0x3F98]  }
0x1a: {  	s8 =	sadd.s32 $0xFFFFE003, lr  }
0x1b: {  	s9 =	sadd.s32 $0xFFFFFEF7, lr;
	s5 =	simm.s32 $0xFFFFFFFF;
	p2 =	slt.u32 s8, $0xFFFFF086  }
0x1c: {  	p1 =	slt.u32 s9, $0xF7A;
	s5 =	simm.s32 @!p2 $0x0  }
0x1d: {  	s5 =	simm.s32 @p1 $0x1;
	p0 =	seq.s32 s7, s2  }
0x1e: {  	s7 =	smul.u32 @!p0 $0xF7A, s2;
	p2 =	seq.s32 @!p0 s5, $0x0  }
0x1f: {  	s9 =	smul.u32 $0xF7A, s1;
	s8 =	simm.s32 @!p0 $0x1BF5;
	p2 =	por !p2, p0  }
0x20: {  	[sflag:s8] =	ssyncset.s32 @!p0 $0xFFFFF086;
	s6 =	sadd.s32 @!p0 s3, s7;
	s7 =	simm.s32 @!p0 $0x108  }
0x21: {  	s3 =	sadd.s32 s3, s9;
	s6 =	sadd.s32 @!p0 $0x88, s6;
	s7 =	simm.s32 @p2 $0x1082  }
0x22: {  	[simem:s7], [sflag:s8] =	dma.local @!p0 [hbm:s6], $0xF7A  }
0x23: {  	s9 =	sor.u32 $0xD0000000, s2;
	s6 =	simm.s32 $0x108;
	_ =	swait.ge @!p0 [sflag:s8], $0x0  }
0x24: {  	s3 =	sadd.s32 $0x88, s3;
	s6 =	simm.s32 @!p1 $0x1082;
	[sflag:s4] =	ssyncset.s32 $0xFFFFF086  }
0x25: {  	[simem:s6], [sflag:s4] =	dma.local [hbm:s3], $0xF7A  }
0x26: {  	[smem:$0x3F98] =	sst s1;
	(tag) =	ssettag s2;
	_ =	strace s9  }
0x27: {  	s1 =	sld [smem:$0x3FA8]  }
0x28: {  	s2 =	sld [smem:$0x3FA9]  }
0x29: {  	s4 =	sld [smem:$0x3FAB]  }
0x2a: {  	p0 =	seq.s32 s5, $0x0;
	s5 =	sld [smem:$0x3FAC]  }
0x2b: {  	s6 =	sld [smem:$0x3FAD]  }
0x2c: {  	s7 =	sld [smem:$0x3FAE]  }
0x2d: {  	s3 =	simm.s32 $0x108;
	s8 =	sld [smem:$0x3FAF]  }
0x2e: {  	s3 =	simm.s32 @!p0 $0x1082;
	s9 =	sld [smem:$0x3FB0]  }
0x2f: {  	lr =	sadd.s32 s0, s3;
	s0 =	sld [smem:$0x3FA7]  }
0x30: {  	s3 =	sld [smem:$0x3FAA]  }
0x31: {  	[smem:$0x3FB3] =	sst s10  }
0x32: {  	s10 =	sld [smem:$0x3FB1];
	_ =	sdelay $0x3  }
0x33: {  	p0 =	seq.s32 s10, $0x1;
	s10 =	sld [smem:$0x3FB3];
	_ =	sdelay $0x3  }
0x34: {  	[smem:$0x3FB3] =	sst s10  }
0x35: {  	s10 =	sld [smem:$0x3FB2];
	_ =	sdelay $0x3  }
0x36: {  	p1 =	seq.s32 s10, $0x1;
	s10 =	sld [smem:$0x3FB3];
	_ =	sdelay $0x3  }
0x37: {  	[smem:$0x3FB3] =	sst s10  }
0x38: {  	s10 =	sld [smem:$0x3FB4]  }
0x39: {  	_ = 	snop;
	(pc) =	sbr.ind lr, $3  }
0x3a: {  	_ = 	snop  }
0x3b: {  	_ = 	snop  }
0x3c: {  	p2 =	seq.s32 s10, $0x1;
	s10 =	sld [smem:$0x3FB3]  }
0x3d: {  	_ =	shalt  }
0x3e: {  	_ =	shalt  }
0x3f: {  	_ =	shalt  }
0x40: {  	_ =	shalt  }
0x41: {  	_ =	shalt  }
0x42: {  	_ =	shalt  }
0x43: {  	_ =	shalt  }
0x44: {  	_ =	shalt  }
0x45: {  	_ =	shalt  }
0x46: {  	_ =	shalt  }
0x47: {  	_ =	shalt  }
0x48: {  	_ =	shalt  }
0x49: {  	_ =	shalt  }
0x4a: {  	_ =	shalt  }
0x4b: {  	_ =	shalt  }
0x4c: {  	_ =	shalt  }
0x4d: {  	_ =	shalt  }
0x4e: {  	_ =	shalt  }
0x4f: {  	_ =	shalt  }
0x50: {  	_ =	shalt  }
0x51: {  	_ =	shalt  }
0x52: {  	_ =	shalt  }
0x53: {  	_ =	shalt  }
0x54: {  	_ =	shalt  }
0x55: {  	_ =	shalt  }
0x56: {  	_ =	shalt  }
0x57: {  	_ =	shalt  }
0x58: {  	_ =	shalt  }
0x59: {  	_ =	shalt  }
0x5a: {  	_ =	shalt  }
0x5b: {  	_ =	shalt  }
0x5c: {  	_ =	shalt  }
0x5d: {  	_ =	shalt  }
0x5e: {  	_ =	shalt  }
0x5f: {  	_ =	shalt  }
0x60: {  	_ =	shalt  }
0x61: {  	_ =	shalt  }
0x62: {  	_ =	shalt  }
0x63: {  	_ =	shalt  }
0x64: {  	_ =	shalt  }
0x65: {  	_ =	shalt  }
0x66: {  	_ =	shalt  }
0x67: {  	_ =	shalt  }
0x68: {  	_ =	shalt  }
0x69: {  	_ =	shalt  }
0x6a: {  	_ =	shalt  }
0x6b: {  	_ =	shalt  }
0x6c: {  	_ =	shalt  }
0x6d: {  	_ =	shalt  }
0x6e: {  	_ =	shalt  }
0x6f: {  	_ =	shalt  }
0x70: {  	_ =	shalt  }
0x71: {  	_ =	shalt  }
0x72: {  	_ =	shalt  }
0x73: {  	_ =	shalt  }
0x74: {  	_ =	shalt  }
0x75: {  	_ =	shalt  }
0x76: {  	_ =	shalt  }
0x77: {  	_ =	shalt  }
0x78: {  	_ =	shalt  }
0x79: {  	_ =	shalt  }
0x7a: {  	_ =	shalt  }
0x7b: {  	_ =	shalt  }
0x7c: {  	_ =	shalt  }
0x7d: {  	_ =	shalt  }
0x7e: {  	_ =	shalt  }
0x7f: {  	_ =	shalt  }
0x80: {  	_ =	shalt  }
0x81: {  	_ =	shalt  }
0x82: {  	_ =	shalt  }
0x83: {  	_ =	shalt  }
0x84: {  	_ =	shalt  }
0x85: {  	_ =	shalt  }
0x86: {  	_ =	shalt  }
0x87: {  	_ =	shalt  }
.Lfunc_end0:
.L_simem_size_0:
called_computation_lowered:
.L_overlay_start_0:
0x88: {  	s2 =	sld [smem:$0x3FD9]  }
0x89: {  	s3 =	sld [smem:$0x3FFE];
	_ =	sdelay $0x1  }
0x8a: {  	s1 =	srdreg.scid  }
0x8b: {  	s0 =	sand.u32 $0x1, s1  }
0x8c: {  	s17 =	sshll.u32 s0, $0xA;
	s2 =	sadd.s32 s3, s2  }
0x8d: {  	s2 =	sadd.s32 s2, s17  }
0x8e: {  	[smem:$0x3FBF] =	sst s2  }
0x8f: {  	_ = 	snop  }
0x90: {  	s2 =	sld [smem:$0x3FC8]  }
0x91: {  	s18 =	sld [smem:$0x3FC7];
	(tm) =	ssettm $0x1  }
0x92: {  	s4 =	sld [smem:$0x3FFB];
	_ =	sdelay $0x3  }
0x93: {  	_ =	strace s4  }
0x94: {  	s4 =	sld [smem:$0x3FFC];
	_ =	sdelay $0x3  }
0x95: {  	_ =	strace s4  }
0x96: {  	s4 =	sld [smem:$0x3FFD];
	_ =	sdelay $0x3  }
0x97: {  	_ =	strace s4  }
0x98: {  	_ =	strace $0x8FFFFFFF  }
0x99: {  	s19 =	sld [smem:$0x3FDB];
	_ =	sdelay $0x1  }
0x9a: {  	s5 =	simm.s32 $_scs_section_size  }
0x9b: {  	s6 =	simm.s32 $_size__tile_overlayer_lowered;
	s7 =	simm.s32 $_tile_overlayer_lowered  }
0x9c: {  	s22 =	simm.s32 $0x1BFF;
	s21 =	sshll.u32 s7, $0x1;
	s4 =	sadd.s32 s5, s19  }
0x9d: {  	s8 =	simm.s32 $0x0;
	s20 =	sshll.u32 s6, $0x1;
	s6 =	sadd.s32 s21, s4  }
0x9e: {  	[timem:s8], [sflag:s22] =	dma.local [hbm:s6], s20  }
0x9f: {  	_ =	swait.ge [sflag:s22], s20  }
0xa0: {  	s5 =	ssub.s32 $0x0, s20;
	[sflag:s22] =	ssyncset.done $0x0  }
0xa1: {  	[sflag:s22] =	ssyncadd.s32 s5;
	_ =	sdelay $0x1  }
0xa2: {  	s23 =	simm.s32 $0x1B8B  }
0xa3: {  	_ =	swait.ge [sflag:s23], $0x1  }
0xa4: {  	[sflag:s23] =	ssyncset.done $0x0  }
0xa5: {  	s25 =	simm.s32 $0x1B8E;
	s24 =	sld [smem:$0x3FFE];
	[sflag:s23] =	ssyncadd.s32 $0xFFFFFFFF  }
0xa6: {  	s26 =	simm.s32 $execute0_lowered;
	[smem:$0x3FD2] =	sst s25  }
0xa7: {  	s6 =	sshll.u32 s26, $0x1;
	_ =	strace $0x80000046;
	[dreg:$0x1] =	wrdreg $0xFFFFFFFF  }
0xa8: {  	s28 =	simm.s32 $_size_execute0_lowered;
	s4 =	sadd.s32 s4, s6;
	[dreg:$0x0] =	wrdreg $0x0  }
0xa9: {  	s6 =	sshll.u32 s28, $0x1;
	[dreg:$0x2] =	wrdreg s4  }
0xaa: {  	[dreg:$0x3] =	wrdreg s6  }
0xab: {  	[dreg:$0x4] =	wrdreg $0xC0  }
0xac: {  	_ =	task [dreg:s8], $0x5FFFF  }
0xad: {  	[dreg:$0x1] =	wrdreg $0xFFFFFFFF  }
0xae: {  	[dreg:$0x0] =	wrdreg $0x60  }
0xaf: {  	[dreg:$0x2] =	wrdreg s2  }
0xb0: {  	[dreg:$0x3] =	wrdreg s18  }
0xb1: {  	[dreg:$0x4] =	wrdreg s24  }
0xb2: {  	[dreg:$0x5] =	wrdreg $0x9  }
0xb3: {  	_ =	task.clear_ibuf [dreg:s8], $0x6FFFF;
	_ =	strace $0x90000046  }
0xb4: {  	s29 =	simm.s32 $0x9;
	_ =	strace $0x80000048  }
0xb5: {  	_ =	swait.ge [sflag:s29], $0x1  }
0xb6: {  	[sflag:s29] =	ssyncadd.s32 $0xFFFFFFFF  }
0xb7: {  	_ =	strace $0x90000048  }
0xb8: {  	_ =	sfence  }
0xb9: {  	s30 =	sld [smem:$0x0];
	_ =	sdelay $0x2  }
0xba: {  	s31 =	sshll.u32 s1, $0xD;
	s1 =	sshrl.u32 s1, $0x2  }
0xbb: {  	s3 =	sand.u32 $0x4000, s31;
	s1 =	sadd.s32 s1, s30  }
0xbc: {  	s0 =	sor.u32 s3, s0;
	s1 =	sshll.u32 s1, $0x11  }
0xbd: {  	s0 =	sor.u32 s1, s0  }
0xbe: {  	s0 =	sadd.s32 $0x8F2B, s0  }
0xbf: {  	[sflag:s0] =	ssyncadd.remote.s32 $0x1  }
0xc0: {  	_ =	sfence.sel $0xFFFF  }
0xc1: {  	[dreg:$0x0] =	wrdreg $0xFFFFFFFF;
	(pc) =	sbr.abs _section_cstart, $3  }
0xc2: {  	[dreg:$0x1] =	wrdreg $0xFFFFFFFF  }
0xc3: {  	_ =	task.clear_ibuf [dreg:s8], $0x2FFFF;
	_ =	strace $0x9FFFFFFF  }
0xc4: {  	(tm) =	ssettm $0x7FFFFFFF  }
0xc5: {  	_ =	shalt  }
tec
execute0_lowered:
.L_overlay_start_1:
0x0: {  	(tag) =	ssettag $0x1  }
0x1: {  	s0 =	rddreg [dreg:$0x0]  }
0x2: {  	s1 =	rddreg [dreg:$0x1]  }
0x3: {  	s5 =	rddreg [dreg:$0x2];
	s18 =	stileid.u32;
	s2 =	simm.s32 $0x0  }
0x4: {  	s4 =	srdreg.scid;
	s16 =	simm.s32 $0x80;
	s17 =	simm.s32 $0x400  }
0x5: {  	s21 =	simm.s32 $0x1;
	s22 =	simm.s32 $0x3000;
	s23 =	simm.s32 $0x2  }
0x6: {  	s29 =	simm.s32 $0xC880;
	s31 =	simm.s32 $0x0;
	s6 =	sshrl.u32 s18, $0x3  }
0x7: {  	s3 =	sshll.u32 s18, $0x7;
	[smem:$0x7FF] =	sst s2;
	s8 =	sand.u32 $0x1, s4  }
0x8: {  	s4 =	sadd.s32 $0x3C00, s5;
	s28 =	sshll.u32 s18, $0x8;
	s7 =	sand.u32 $0x380, s3  }
0x9: {  	s24 =	sshll.u32 s6, $0xE;
	_ =	strace $0x80000047;
	s10 =	ssub.s32 $0x2, s8  }
0xa: {  	s25 =	sshll.u32 s6, $0xA;
	p0 =	sne.s32 s8, $0x0;
	s3 =	sor.u32 s7, s24  }
0xb: {  	s11 =	sshrl.u32 s10, $0x1;
	s24 =	simm.s32 $0xC900;
	s9 =	sshrl.u32 s3, $0x3  }
0xc: {  	s3 =	sadd.s32 $0x2C00, s5;
	s15 =	ssub.s32 s10, s11;
	s10 =	simm.s32 $0x10  }
0xd: {  	s14 =	sadd.s32 s9, s5;
	s5 =	sadd.s32 $0x3E00, s5;
	s1 =	sadd.s32 s1, s9  }
0xe: {  	s0 =	sadd.s32 s0, s9;
	s15 =	smax.u32 s15, $0x1;
	[dreg:$0x4] =	wrdreg s1  }
.Ltmp0:
0xf: {  	[dreg:$0x5] =	wrdreg s0;
	s26 =	sadd.s32 $0xC00, s14;
	(pc) =	sbr.rel .LBB2_1-.Ltmp0, $4  }
0x10: {  	s0 =	sor.u32 s7, s25;
	s30 =	sadd.s32 $0x1C00, s14;
	s1 =	sadd.s32 s3, s28  }
0x11: {  	s13 =	sadd.s32 $0x5000, s14;
	s14 =	sadd.s32 $0x4000, s14;
	[dreg:$0x6] =	wrdreg s26  }
0x12: {  	v2 =	vlaneseq.u32;
	s25 =	simm.s32 $0x3880;
	[dreg:$0x7] =	wrdreg s30;
	s0 =	sshrl.u32 s0, $0x3  }
0x13: {  	v1 =	vimm.s32 $0x0;
	v0 =	vmov s18;
	v2 =	vmul.u32 $0x80, v2;
	[dreg:$0x8] =	wrdreg s1;
	s11 =	sadd.s32 s4, s0;
	s12 =	sadd.s32 s5, s0  }
.LBB2_9:
0x14: {  	[bflag:$0x0] =	sbarrier.arrive $0xFFFF  }
.LBB2_10:
0x15: {  	s31 =	sadd.s32 $0x1, s31  }
0x16: {  	p1 =	sne.s32 s31, s15  }
.Ltmp1:
0x17: {  	_ = 	snop;
	(pc) =	sbr.rel @!p1 .LBB2_11-.Ltmp1, $1  }
0x18: {  	_ =	sdelay $0x3  }
.LBB2_1:
.Ltmp2:
0x19: {  	(pc) =	sbr.rel @p0 .LBB2_9-.Ltmp2, $1  }
0x1a: {  	_ =	sdelay $0x3  }
0x1b: {  	s0 =	simm.s32 $0x0;
	s1 =	rddreg [dreg:$0x4]  }
0x1c: {  	[tilespmem:s0], [sflag:$0x1] =	stream.strided.gather [hbm4b:s1+s16], $0x800, s17, s16, $0x38;
	[tilespmem:$0xC980] =	vst v63  }
0x1d: {  	s18 =	rddreg [dreg:$0x5];
	s19 =	simm.s32 $0x800  }
0x1e: {  	[tilespmem:s19], [sflag:$0x1] =	stream.strided.gather [hbm4b:s18+s16], $0x800, s17, s16, $0x38;
	[tilespmem:$0xC980] =	vst v63  }
0x1f: {  	s20 =	rddreg [dreg:$0x6];
	s26 =	simm.s32 $0x1000  }
0x20: {  	[tilespmem:s26], [sflag:$0x1] =	stream.strided.gather [hbm4b:s20+s16], $0x800, s17, s16, $0x38;
	[tilespmem:$0xC980] =	vst v63  }
0x21: {  	s28 =	rddreg [dreg:$0x7];
	s30 =	simm.s32 $0x1800  }
0x22: {  	[tilespmem:s30], [sflag:$0x1] =	stream.strided.gather [hbm4b:s28+s16], $0x800, s17, s16, $0x38;
	[tilespmem:$0xC980] =	vst v63  }
0x23: {  	_ =	swait.ge [sflag:s21], $0x800  }
0x24: {  	[sflag:s21] =	ssyncset.done $0x0  }
0x25: {  	s1 =	simm.s32 $0x3010;
	[sflag:s21] =	ssyncadd.s32 $0xFFFFF800  }
0x26: {  	s6 =	simm.s32 $0x10;
	[tilespmem:s1+$0xFFFFFFF0] =	vst v1  }
0x27: {  	v3 =	vld [tilespmem:s6+$0xFFFFFFF0];
	_ =	sdelay $0x1  }
0x28: {  	[tilespmem:s1+$0x0] =	vst v1  }
0x29: {  	v4 =	vld [tilespmem:s6+$0x0];
	_ =	sdelay $0x1  }
0x2a: {  	(xrf0) =	vadd.scan.msk.s32 $0xffff, v3;
	_ =	sdelay $0x2  }
0x2b: {  	(xrf0) =	vadd.scan.msk.s32 $0xffff, v4;
	_ =	sdelay $0x1  }
0x2c: {  	s7 =	simm.s32 $0x3030  }
0x2d: {  	s8 =	simm.s32 $0x30;
	[tilespmem:s7+$0xFFFFFFF0] =	vst v1;
	v5, _, _ =	vpop (xrf0)  }
0x2e: {  	s9 =	simm.s32 $0x3050;
	v3 =	vld [tilespmem:s8+$0xFFFFFFF0];
	[tilespmem:s7+$0x0] =	vst v1;
	(v2sf) =	vpush v5, $0xF  }
0x2f: {  	s18 =	simm.s32 $0x50;
	v4 =	vld [tilespmem:s8+$0x0];
	[tilespmem:s9+$0xFFFFFFF0] =	vst v1  }
0x30: {  	v6 =	vld [tilespmem:s18+$0xFFFFFFF0];
	[tilespmem:s9+$0x0] =	vst v1;
	v5, _, _ =	vpop (xrf0)  }
0x31: {  	(v2sf) =	vpush v5, $0xF;
	v5 =	vld [tilespmem:s18+$0x0];
	_ =	sdelay $0x1  }
0x32: {  	(xrf0) =	vadd.scan.msk.s32 $0xffff, v3  }
0x33: {  	(xrf0) =	vadd.scan.msk.s32 $0xffff, v4  }
0x34: {  	(xrf0) =	vadd.scan.msk.s32 $0xffff, v6  }
0x35: {  	(xrf0) =	vadd.scan.msk.s32 $0xffff, v5;
	_ =	sdelay $0x1  }
0x36: {  	s19 =	simm.s32 $0x3070  }
0x37: {  	s20 =	simm.s32 $0x70;
	[tilespmem:s19+$0xFFFFFFF0] =	vst v1;
	v5, _, _ =	vpop (xrf0)  }
0x38: {  	v7 =	vld [tilespmem:s20+$0xFFFFFFF0];
	v6, _, _ =	vpop (xrf0);
	(v2sf) =	vpush v5, $0xF  }
0x39: {  	(v2sf) =	vpush v6, $0xF;
	v5, _, _ =	vpop (xrf0)  }
0x3a: {  	[tilespmem:s19+$0x0] =	vst v1;
	(v2sf) =	vpush v5, $0xF;
	v5, _, _ =	vpop (xrf0)  }
0x3b: {  	v3 =	vld [tilespmem:s20+$0x0];
	s30 =	spop (v2sf);
	(v2sf) =	vpush v5, $0xF  }
0x3c: {  	s26 =	simm.s32 $0x3090  }
0x3d: {  	s28 =	simm.s32 $0x90;
	[tilespmem:s26+$0xFFFFFFF0] =	vst v1;
	(xrf0) =	vadd.scan.msk.s32 $0xffff, v7  }
0x3e: {  	v4 =	vld [tilespmem:s28+$0xFFFFFFF0];
	_ =	sdelay $0x1  }
0x3f: {  	[tilespmem:s26+$0x0] =	vst v1;
	(xrf0) =	vadd.scan.msk.s32 $0xffff, v3  }
0x40: {  	v3 =	vld [tilespmem:s28+$0x0]  }
0x41: {  	s6 =	simm.s32 $0xA;
	s7 =	simm.s32 $0x30B0  }
0x42: {  	s8 =	simm.s32 $0xB0;
	[tilespmem:s7+$0xFFFFFFF0] =	vst v1;
	(xrf0) =	vadd.scan.msk.s32 $0xffff, v4;
	v4, _, _ =	vpop (xrf0);
	s0 =	sadd.s32 $0x0, s30;
	s1 =	spop (v2sf)  }
.LBB2_3:
0x43: {  	s6 =	sadd.s32 $0x2, s6  }
0x44: {  	v5 =	vld [tilespmem:s8+$0xFFFFFFF0];
	s0 =	sadd.s32 s1, s0;
	p1 =	slt.u32 s6, $0x7E  }
.Ltmp3:
0x45: {  	[tilespmem:s7+$0x0] =	vst v1;
	(xrf0) =	vadd.scan.msk.s32 $0xffff, v3;
	(v2sf) =	vpush v4, $0xF;
	v4, _, _ =	vpop (xrf0);
	(pc) =	sbr.rel @p1 .LBB2_3-.Ltmp3, $3  }
0x46: {  	v3 =	vld [tilespmem:s8+$0x0];
	(v2sf) =	vpush v4, $0xF;
	_ =	sdelay $0x1  }
0x47: {  	s7 =	sadd.s32 $0x20, s7;
	s1 =	spop (v2sf)  }
0x48: {  	s8 =	sadd.s32 $0x20, s8;
	[tilespmem:s7+$0xFFFFFFF0] =	vst v1;
	(xrf0) =	vadd.scan.msk.s32 $0xffff, v5;
	v4, _, _ =	vpop (xrf0);
	s0 =	sadd.s32 s0, s1;
	s1 =	spop (v2sf)  }
0x49: {  	v5 =	vld [tilespmem:s8+$0xFFFFFFF0];
	[tilespmem:s7+$0x0] =	vst v1  }
0x4a: {  	v6 =	vld [tilespmem:s8+$0x0];
	_ =	sdelay $0x2  }
0x4b: {  	(xrf0) =	vadd.scan.msk.s32 $0xffff, v3  }
0x4c: {  	(xrf0) =	vadd.scan.msk.s32 $0xffff, v5  }
0x4d: {  	(xrf0) =	vadd.scan.msk.s32 $0xffff, v6;
	_ =	sdelay $0x1  }
0x4e: {  	(v2sf) =	vpush v4, $0xF;
	v3, _, _ =	vpop (xrf0)  }
0x4f: {  	(v2sf) =	vpush v3, $0xF;
	v4, _, _ =	vpop (xrf0)  }
0x50: {  	(v2sf) =	vpush v4, $0xF;
	v3, _, _ =	vpop (xrf0)  }
0x51: {  	(v2sf) =	vpush v3, $0xF;
	v3, _, _ =	vpop (xrf0)  }
0x52: {  	(v2sf) =	vpush v3, $0xF;
	v3, _, _ =	vpop (xrf0)  }
0x53: {  	(v2sf) =	vpush v3, $0xF;
	_ =	sdelay $0x5  }
0x54: {  	s6 =	spop (v2sf)  }
0x55: {  	s7 =	spop (v2sf)  }
0x56: {  	s8 =	spop (v2sf)  }
0x57: {  	s18 =	spop (v2sf)  }
0x58: {  	s19 =	spop (v2sf)  }
0x59: {  	s20 =	spop (v2sf)  }
0x5a: {  	s26 =	spop (v2sf)  }
0x5b: {  	s28 =	spop (v2sf)  }
0x5c: {  	s30 =	spop (v2sf)  }
0x5d: {  	[tilespmem:$0x3800] =	vst v1;
	s9 =	spop (v2sf)  }
0x5e: {  	_ =	swait.ge [sflag:s21], $0x800  }
0x5f: {  	[sflag:s21] =	ssyncset.done $0x0  }
0x60: {  	[sflag:s21] =	ssyncadd.s32 $0xFFFFF800  }
0x61: {  	_ =	swait.ge [sflag:s21], $0x800  }
0x62: {  	[sflag:s21] =	ssyncset.done $0x0  }
0x63: {  	[sflag:s21] =	ssyncadd.s32 $0xFFFFF800  }
0x64: {  	_ =	swait.ge [sflag:s21], $0x800  }
0x65: {  	[sflag:s21] =	ssyncset.done $0x0  }
0x66: {  	[sflag:s21] =	ssyncadd.s32 $0xFFFFF800  }
0x67: {  	v4 =	vld [tilespmem:s10+$0xFFFFFFF0]  }
0x68: {  	s0 =	sadd.s32 s1, s0  }
0x69: {  	s0 =	sadd.s32 s0, s6  }
0x6a: {  	s0 =	sadd.s32 s7, s0  }
0x6b: {  	s0 =	sadd.s32 s0, s8  }
0x6c: {  	s0 =	sadd.s32 s18, s0;
	(xrf0) =	vadd.scan.msk.s32 $0xffff, v4  }
0x6d: {  	s0 =	sadd.s32 s0, s19  }
0x6e: {  	s0 =	sadd.s32 s20, s0  }
0x6f: {  	s0 =	sadd.s32 s0, s26  }
0x70: {  	s0 =	sadd.s32 s28, s0  }
0x71: {  	s8 =	simm.s32 $0x810;
	s0 =	sadd.s32 s0, s30  }
0x72: {  	s0 =	sadd.s32 s9, s0;
	s9 =	simm.s32 $0x0;
	v5 =	vld [tilespmem:s8+$0xFFFFFFF0];
	v3, _, _ =	vpop (xrf0)  }
0x73: {  	s0 =	sadd.s32 $0xFFFFFFFF, s0;
	v6 =	vadd.s32 s9, v3  }
0x74: {  	vm1 =	vgt.s32 v4, $0x0;
	v3 =	vmov s0;
	vm0 =	vgt.s32 v6, $0x1  }
0x75: {  	vm2 =	vle.s32 v6, v3;
	vm0 =	vmand vm0, vm1  }
0x76: {  	vm0 =	vmand vm0, vm2  }
0x77: {  	v4 =	vnsel vm0, $0x0, v5  }
0x78: {  	(xrf0) =	vadd.scan.msk.s32 $0xffff, v4;
	_ =	sdelay $0x5  }
0x79: {  	s18 =	simm.s32 $0x2010;
	v4 =	vsel vm0, $0x1, v1;
	v5, _, _ =	vpop (xrf0)  }
0x7a: {  	s19 =	simm.s32 $0x2810;
	[tilespmem:s18+$0xFFFFFFF0] =	vst v4;
	v5 =	vadd.s32 s9, v5  }
0x7b: {  	s20 =	simm.s32 $0x1810;
	[tilespmem:s19+$0xFFFFFFF0] =	vst v5  }
0x7c: {  	v4 =	vld [tilespmem:s20+$0xFFFFFFF0];
	_ =	sdelay $0x4  }
0x7d: {  	vm11 =	vgt.s32 v4, $0x0  }
0x7e: {  	v4 =	vsel vm11, $0x1, v1  }
0x7f: {  	(xrf0) =	vadd.scan.msk.s32 $0xffff, v4;
	_ =	sdelay $0x2  }
0x80: {  	v4 =	vmov s9  }
0x81: {  	v4 =	vadd.s32 $0xFFFFFFFF, v4  }
0x82: {  	v4 =	vbroadcast v4, $0x0  }
0x83: {  	s0 =	simm.s32 $0x1010;
	v7, _, _ =	vpop (xrf0)  }
0x84: {  	v8 =	vld [tilespmem:s0+$0xFFFFFFF0];
	v4 =	vadd.s32 v4, v7;
	_ =	sdelay $0x4  }
0x85: {  	[tilespmem:v4+s22+$0x0] =	vst.idx.msk vm11, v8  }
0x86: {  	v4 =	vld [tilespmem:s10+$0x0];
	_ =	sdelay $0x4  }
0x87: {  	(xrf0) =	vadd.scan.msk.s32 $0xffff, v4;
	_ =	sdelay $0x4  }
0x88: {  	v6 =	vbroadcast v6, $0xF  }
0x89: {  	v8 =	vld [tilespmem:s8+$0x0];
	v9, _, _ =	vpop (xrf0)  }
0x8a: {  	v6 =	vadd.s32 v6, v9  }
0x8b: {  	vm13 =	vgt.s32 v4, $0x0;
	vm12 =	vgt.s32 v6, $0x1  }
0x8c: {  	vm14 =	vle.s32 v6, v3;
	vm0 =	vmand vm12, vm13  }
0x8d: {  	vm0 =	vmand vm0, vm14  }
0x8e: {  	v4 =	vnsel vm0, $0x0, v8  }
0x8f: {  	(xrf0) =	vadd.scan.msk.s32 $0xffff, v4;
	_ =	sdelay $0x1  }
0x90: {  	(v2sf) =	vpush v7, $0xF;
	_ =	sdelay $0x2  }
0x91: {  	v4 =	vbroadcast v5, $0xF  }
0x92: {  	v5 =	vsel vm0, $0x1, v1;
	v7, _, _ =	vpop (xrf0)  }
0x93: {  	[tilespmem:s18+$0x0] =	vst v5;
	v4 =	vadd.s32 v4, v7  }
0x94: {  	[tilespmem:s19+$0x0] =	vst v4  }
0x95: {  	v5 =	vld [tilespmem:s20+$0x0];
	_ =	sdelay $0x4  }
0x96: {  	vm15 =	vgt.s32 v5, $0x0  }
0x97: {  	v5 =	vsel vm15, $0x1, v1  }
0x98: {  	(xrf0) =	vadd.scan.msk.s32 $0xffff, v5  }
0x99: {  	s26 =	spop (v2sf)  }
0x9a: {  	s7 =	sadd.s32 $0x0, s26  }
0x9b: {  	v5 =	vmov s7  }
0x9c: {  	v5 =	vadd.s32 $0xFFFFFFFF, v5  }
0x9d: {  	(v2sf) =	vpush v6, $0xF;
	v5 =	vbroadcast v5, $0x0  }
0x9e: {  	(v2sf) =	vpush v4, $0xF;
	v4, _, _ =	vpop (xrf0)  }
0x9f: {  	v6 =	vld [tilespmem:s0+$0x0];
	(v2sf) =	vpush v4, $0xF;
	v4 =	vadd.s32 v5, v4;
	_ =	sdelay $0x4  }
0xa0: {  	s20 =	simm.s32 $0x30;
	[tilespmem:v4+s22+$0x0] =	vst.idx.msk vm15, v6  }
0xa1: {  	v4 =	vld [tilespmem:s20+$0xFFFFFFF0];
	_ =	sdelay $0x4  }
0xa2: {  	(xrf0) =	vadd.scan.msk.s32 $0xffff, v4;
	_ =	sdelay $0x1  }
0xa3: {  	s1 =	simm.s32 $0x2030;
	s26 =	spop (v2sf)  }
0xa4: {  	s6 =	simm.s32 $0x2;
	s30 =	simm.s32 $0x830;
	s8 =	spop (v2sf)  }
0xa5: {  	s18 =	simm.s32 $0x1830;
	s19 =	simm.s32 $0x2830;
	s28 =	spop (v2sf)  }
.LBB2_5:
0xa6: {  	s6 =	sadd.s32 $0x2, s6;
	s7 =	sadd.s32 s7, s28;
	s0 =	sadd.s32 $0x20, s0  }
0xa7: {  	p1 =	slt.u32 s6, $0x7E;
	v5 =	vld [tilespmem:s30+$0xFFFFFFF0];
	v6 =	vmov s7;
	v7, _, _ =	vpop (xrf0)  }
0xa8: {  	v7 =	vadd.s32 s26, v7;
	v6 =	vadd.s32 $0xFFFFFFFF, v6  }
0xa9: {  	vm1 =	vgt.s32 v4, $0x0;
	vm0 =	vgt.s32 v7, $0x1  }
0xaa: {  	vm2 =	vle.s32 v7, v3;
	vm0 =	vmand vm0, vm1  }
0xab: {  	vm0 =	vmand vm0, vm2  }
0xac: {  	v4 =	vsel vm0, $0x1, v1;
	v5 =	vnsel vm0, $0x0, v5  }
0xad: {  	(xrf0) =	vadd.scan.msk.s32 $0xffff, v5;
	_ =	sdelay $0x5  }
0xae: {  	v5, _, _ =	vpop (xrf0)  }
0xaf: {  	v5 =	vadd.s32 s8, v5;
	[tilespmem:s1+$0xFFFFFFF0] =	vst v4  }
0xb0: {  	[tilespmem:s19+$0xFFFFFFF0] =	vst v5  }
0xb1: {  	v4 =	vld [tilespmem:s18+$0xFFFFFFF0];
	_ =	sdelay $0x4  }
0xb2: {  	vm0 =	vgt.s32 v4, $0x0  }
0xb3: {  	v4 =	vsel vm0, $0x1, v1  }
0xb4: {  	(xrf0) =	vadd.scan.msk.s32 $0xffff, v4;
	_ =	sdelay $0x4  }
0xb5: {  	v4 =	vbroadcast v6, $0x0  }
0xb6: {  	v6, _, _ =	vpop (xrf0)  }
0xb7: {  	v4 =	vadd.s32 v4, v6;
	v8 =	vld [tilespmem:s0+$0xFFFFFFF0];
	(v2sf) =	vpush v6, $0xF;
	_ =	sdelay $0x4  }
0xb8: {  	[tilespmem:v4+s22+$0x0] =	vst.idx.msk vm0, v8  }
0xb9: {  	v4 =	vld [tilespmem:s20+$0x0];
	_ =	sdelay $0x4  }
0xba: {  	(xrf0) =	vadd.scan.msk.s32 $0xffff, v4;
	_ =	sdelay $0x3  }
0xbb: {  	s8 =	spop (v2sf)  }
0xbc: {  	v6 =	vbroadcast v7, $0xF  }
0xbd: {  	v7 =	vld [tilespmem:s30+$0x0];
	v8, _, _ =	vpop (xrf0)  }
0xbe: {  	v6 =	vadd.s32 v6, v8  }
0xbf: {  	vm1 =	vgt.s32 v4, $0x0;
	vm0 =	vgt.s32 v6, $0x1;
	(v2sf) =	vpush v6, $0xF  }
0xc0: {  	vm2 =	vle.s32 v6, v3;
	vm0 =	vmand vm0, vm1  }
0xc1: {  	vm0 =	vmand vm0, vm2  }
0xc2: {  	v4 =	vsel vm0, $0x1, v1;
	v6 =	vnsel vm0, $0x0, v7  }
0xc3: {  	[tilespmem:s1+$0x0] =	vst v4;
	(xrf0) =	vadd.scan.msk.s32 $0xffff, v6;
	_ =	sdelay $0x4  }
0xc4: {  	v4 =	vbroadcast v5, $0xF  }
0xc5: {  	v5, _, _ =	vpop (xrf0)  }
0xc6: {  	v4 =	vadd.s32 v4, v5  }
0xc7: {  	[tilespmem:s19+$0x0] =	vst v4;
	(v2sf) =	vpush v4, $0xF  }
0xc8: {  	v4 =	vld [tilespmem:s18+$0x0]  }
0xc9: {  	v5 =	vld [tilespmem:s0+$0x0]  }
0xca: {  	s26 =	spop (v2sf);
	_ =	sdelay $0x2  }
0xcb: {  	vm0 =	vgt.s32 v4, $0x0  }
0xcc: {  	v4 =	vsel vm0, $0x1, v1  }
0xcd: {  	(xrf0) =	vadd.scan.msk.s32 $0xffff, v4;
	_ =	sdelay $0x1  }
0xce: {  	s7 =	sadd.s32 s7, s8  }
0xcf: {  	v4 =	vmov s7  }
0xd0: {  	v4 =	vadd.s32 $0xFFFFFFFF, v4  }
0xd1: {  	v4 =	vbroadcast v4, $0x0  }
0xd2: {  	v6, _, _ =	vpop (xrf0)  }
0xd3: {  	v4 =	vadd.s32 v4, v6;
	s8 =	spop (v2sf);
	(v2sf) =	vpush v6, $0xF;
	_ =	sdelay $0x4  }
0xd4: {  	s20 =	sadd.s32 $0x20, s20;
	[tilespmem:v4+s22+$0x0] =	vst.idx.msk vm0, v5  }
0xd5: {  	v4 =	vld [tilespmem:s20+$0xFFFFFFF0];
	_ =	sdelay $0x4  }
.Ltmp4:
0xd6: {  	(xrf0) =	vadd.scan.msk.s32 $0xffff, v4;
	(pc) =	sbr.rel @p1 .LBB2_5-.Ltmp4, $3  }
0xd7: {  	_ =	sdelay $0x1  }
0xd8: {  	s30 =	sadd.s32 $0x20, s30;
	s1 =	sadd.s32 $0x20, s1  }
0xd9: {  	s19 =	sadd.s32 $0x20, s19;
	s18 =	sadd.s32 $0x20, s18;
	s28 =	spop (v2sf)  }
0xda: {  	_ = 	snop  }
0xdb: {  	v5 =	vld [tilespmem:s30+$0xFFFFFFF0];
	v6, _, _ =	vpop (xrf0)  }
0xdc: {  	v6 =	vadd.s32 s26, v6  }
0xdd: {  	vm1 =	vgt.s32 v4, $0x0;
	vm0 =	vgt.s32 v6, $0x1  }
0xde: {  	vm2 =	vle.s32 v6, v3;
	vm0 =	vmand vm0, vm1  }
0xdf: {  	vm0 =	vmand vm0, vm2  }
0xe0: {  	v4 =	vnsel vm0, $0x0, v5  }
0xe1: {  	(xrf0) =	vadd.scan.msk.s32 $0xffff, v4;
	_ =	sdelay $0x5  }
0xe2: {  	v4 =	vsel vm0, $0x1, v1;
	v5, _, _ =	vpop (xrf0)  }
0xe3: {  	[tilespmem:s1+$0xFFFFFFF0] =	vst v4;
	v5 =	vadd.s32 s8, v5  }
0xe4: {  	[tilespmem:s19+$0xFFFFFFF0] =	vst v5  }
0xe5: {  	v4 =	vld [tilespmem:s18+$0xFFFFFFF0];
	_ =	sdelay $0x4  }
0xe6: {  	vm11 =	vgt.s32 v4, $0x0  }
0xe7: {  	v4 =	vsel vm11, $0x1, v1  }
0xe8: {  	(xrf0) =	vadd.scan.msk.s32 $0xffff, v4;
	_ =	sdelay $0x1  }
0xe9: {  	s6 =	sadd.s32 s7, s28  }
0xea: {  	v4 =	vmov s6  }
0xeb: {  	v4 =	vadd.s32 $0xFFFFFFFF, v4  }
0xec: {  	v4 =	vbroadcast v4, $0x0  }
0xed: {  	s0 =	sadd.s32 $0x20, s0;
	v7, _, _ =	vpop (xrf0)  }
0xee: {  	v8 =	vld [tilespmem:s0+$0xFFFFFFF0];
	v4 =	vadd.s32 v4, v7;
	_ =	sdelay $0x4  }
0xef: {  	[tilespmem:v4+s22+$0x0] =	vst.idx.msk vm11, v8  }
0xf0: {  	v4 =	vld [tilespmem:s20+$0x0];
	_ =	sdelay $0x4  }
0xf1: {  	(xrf0) =	vadd.scan.msk.s32 $0xffff, v4;
	_ =	sdelay $0x4  }
0xf2: {  	v6 =	vbroadcast v6, $0xF  }
0xf3: {  	v8 =	vld [tilespmem:s30+$0x0];
	v9, _, _ =	vpop (xrf0)  }
0xf4: {  	v6 =	vadd.s32 v6, v9  }
0xf5: {  	vm13 =	vgt.s32 v4, $0x0;
	vm12 =	vgt.s32 v6, $0x1  }
0xf6: {  	vm14 =	vle.s32 v6, v3;
	vm0 =	vmand vm12, vm13  }
0xf7: {  	vm0 =	vmand vm0, vm14  }
0xf8: {  	v3 =	vnsel vm0, $0x0, v8  }
0xf9: {  	(xrf0) =	vadd.scan.msk.s32 $0xffff, v3;
	_ =	sdelay $0x4  }
0xfa: {  	v3 =	vbroadcast v5, $0xF  }
0xfb: {  	v4 =	vsel vm0, $0x1, v1;
	v5, _, _ =	vpop (xrf0)  }
0xfc: {  	[tilespmem:s1+$0x0] =	vst v4;
	v3 =	vadd.s32 v3, v5  }
0xfd: {  	[tilespmem:s19+$0x0] =	vst v3  }
0xfe: {  	v4 =	vld [tilespmem:s18+$0x0]  }
0xff: {  	(v2sf) =	vpush v7, $0xF;
	_ =	sdelay $0x3  }
0x100: {  	vm15 =	vgt.s32 v4, $0x0  }
0x101: {  	v4 =	vsel vm15, $0x1, v1  }
0x102: {  	(xrf0) =	vadd.scan.msk.s32 $0xffff, v4;
	_ =	sdelay $0x3  }
0x103: {  	(v2sf) =	vpush v6, $0xF  }
0x104: {  	(v2sf) =	vpush v3, $0xF  }
0x105: {  	v4, _, _ =	vpop (xrf0)  }
0x106: {  	(v2sf) =	vpush v4, $0xF;
	_ =	sdelay $0x1  }
0x107: {  	s18 =	spop (v2sf)  }
0x108: {  	s1 =	sadd.s32 s6, s18  }
0x109: {  	v5 =	vmov s1  }
0x10a: {  	v5 =	vadd.s32 $0xFFFFFFFF, v5  }
0x10b: {  	v5 =	vbroadcast v5, $0x0;
	_ =	sdelay $0x1  }
0x10c: {  	v6 =	vld [tilespmem:s0+$0x0];
	v4 =	vadd.s32 v5, v4;
	_ =	sdelay $0x3  }
0x10d: {  	s19 =	spop (v2sf)  }
0x10e: {  	s26 =	rddreg [dreg:$0x8];
	s20 =	spop (v2sf);
	[tilespmem:v4+s22+$0x0] =	vst.idx.msk vm15, v6  }
0x10f: {  	[hbm4b:s26+s2] =	stream.linear.scatter [tilespmem:s22], [sflag:$0x2], $0x800, $0x38;
	[tilespmem:$0xC980] =	vst v63  }
0x110: {  	s0 =	spop (v2sf)  }
0x111: {  	_ =	swait.ge [sflag:s23], $0x800  }
0x112: {  	s0 =	sadd.s32 s1, s0;
	[sflag:s23] =	ssyncset.done $0x0  }
0x113: {  	v4 =	vmov s0;
	[sflag:s23] =	ssyncadd.s32 $0xFFFFF800  }
0x114: {  	[tilespmem:$0xC900] =	vst v4  }
0x115: {  	[hbm4b:s11+s2] =	stream.linear.scatter [tilespmem:s24], [sflag:$0x2], $0x80, $0x38;
	[tilespmem:$0xC980] =	vst v63  }
0x116: {  	_ =	swait.ge [sflag:s23], $0x80  }
0x117: {  	v3 =	vbroadcast v3, $0xF;
	[sflag:s23] =	ssyncset.done $0x0  }
0x118: {  	[sflag:s23] =	ssyncadd.s32 $0xFFFFFF80  }
0x119: {  	[tilespmem:$0xC900] =	vst v3  }
0x11a: {  	[hbm4b:s12+s2] =	stream.linear.scatter [tilespmem:s24], [sflag:$0x2], $0x80, $0x38;
	[tilespmem:$0xC980] =	vst v63  }
0x11b: {  	_ =	swait.ge [sflag:s23], $0x80  }
0x11c: {  	[sflag:s23] =	ssyncset.done $0x0  }
0x11d: {  	[sflag:s23] =	ssyncadd.s32 $0xFFFFFF80  }
0x11e: {  	[bflag:$0x0] =	sbarrier.arrive $0xFFFF  }
0x11f: {  	[tilespmem:s25], [sflag:$0x1] =	stream.linear.gather [hbm4b:s3+s2], $0x8000, $0x38;
	[tilespmem:$0xC980] =	vst v63  }
0x120: {  	s28 =	simm.s32 $0xB880  }
0x121: {  	[tilespmem:s28], [sflag:$0x2] =	stream.linear.gather [hbm4b:s4+s2], $0x800, $0x38;
	[tilespmem:$0xC980] =	vst v63  }
0x122: {  	_ =	swait.ge [sflag:s23], $0x800  }
0x123: {  	[sflag:s23] =	ssyncset.done $0x0  }
0x124: {  	s30 =	simm.s32 $0xC080;
	[sflag:s23] =	ssyncadd.s32 $0xFFFFF800  }
0x125: {  	[tilespmem:s30], [sflag:$0x2] =	stream.linear.gather [hbm4b:s5+s2], $0x800, $0x38;
	[tilespmem:$0xC980] =	vst v63  }
0x126: {  	_ =	swait.ge [sflag:s23], $0x800  }
0x127: {  	[sflag:s23] =	ssyncset.done $0x0  }
0x128: {  	[sflag:s23] =	ssyncadd.s32 $0xFFFFF800  }
0x129: {  	v3 =	vld.idx.msk [tilespmem:v2+s28+$0x0], $0xffff;
	_ =	sdelay $0x4  }
0x12a: {  	(xrf0) =	vadd.scan.msk.s32 $0xffff, v3;
	_ =	sdelay $0x1  }
0x12b: {  	v4 =	vld.idx.msk [tilespmem:v2+s30+$0x0], $0xffff;
	_ =	sdelay $0x3  }
0x12c: {  	v5, _, _ =	vpop (xrf0)  }
0x12d: {  	(xrf0) =	vadd.scan.msk.s32 $0xffff, v4;
	v3 =	vsub.s32 v5, v3  }
0x12e: {  	[tilespmem:$0xC880] =	vst v3  }
0x12f: {  	v18 =	vld [tilespmem:$0xC880];
	_ =	sdelay $0x3  }
0x130: {  	v3, _, _ =	vpop (xrf0)  }
0x131: {  	v4 =	vsub.s32 v3, v4;
	v3 =	vbroadcast v18, $0x1  }
0x132: {  	[tilespmem:$0xC900] =	vst v4;
	v4 =	vbroadcast v18, $0x2;
	v5 =	vbroadcast v18, $0x3  }
0x133: {  	v6 =	vbroadcast v18, $0x4;
	v7 =	vbroadcast v18, $0x5;
	v16 =	vld.idx.msk [tilespmem:v0+s24+$0x0], $0xffff  }
0x134: {  	v8 =	vbroadcast v18, $0x6;
	v9 =	vbroadcast v18, $0x7  }
0x135: {  	v10 =	vbroadcast v18, $0x8;
	v11 =	vbroadcast v18, $0x9  }
0x136: {  	s6 =	simm.s32 $0x2010;
	v12 =	vbroadcast v18, $0xA;
	v13 =	vbroadcast v18, $0xB;
	_ =	swait.ge [sflag:s21], $0x8000  }
0x137: {  	s18 =	simm.s32 $0x810;
	s19 =	simm.s32 $0x2810;
	v14 =	vbroadcast v18, $0xC;
	v15 =	vbroadcast v18, $0xD;
	[sflag:s21] =	ssyncset.done $0x0  }
0x138: {  	s1 =	simm.s32 $0x10;
	s0 =	simm.s32 $0xFFFFFFFE;
	v17 =	vbroadcast v18, $0xE;
	v18 =	vbroadcast v18, $0xF;
	[sflag:s21] =	ssyncadd.s32 $0xFFFF8000;
	v16 =	vadd.s32 $0xFFFFFFFF, v16  }
.LBB2_7:
0x139: {  	v19 =	vld [tilespmem:s19+$0xFFFFFFF0];
	_ =	sdelay $0x4  }
0x13a: {  	v19 =	vadd.s32 v19, v16  }
0x13b: {  	vm0 =	vge.s32 v19, v3;
	vm1 =	vge.s32 v19, v4  }
0x13c: {  	vm8 =	vge.s32 v19, v5;
	v20 =	vsel vm0, $0x1, v1;
	v21 =	vsel vm1, $0x1, v1  }
0x13d: {  	vm9 =	vge.s32 v19, v6;
	v35 =	vsel vm8, $0x1, v1;
	v20 =	vadd.s32 v21, v20  }
0x13e: {  	vm10 =	vge.s32 v19, v7;
	v36 =	vsel vm9, $0x1, v1;
	v20 =	vadd.s32 v35, v20  }
0x13f: {  	vm11 =	vge.s32 v19, v8;
	v37 =	vsel vm10, $0x1, v1;
	v20 =	vadd.s32 v36, v20  }
0x140: {  	vm12 =	vge.s32 v19, v9;
	v38 =	vsel vm11, $0x1, v1;
	v20 =	vadd.s32 v37, v20  }
0x141: {  	vm13 =	vge.s32 v19, v10;
	v39 =	vsel vm12, $0x1, v1;
	v20 =	vadd.s32 v38, v20  }
0x142: {  	vm14 =	vge.s32 v19, v11;
	v40 =	vsel vm13, $0x1, v1;
	v20 =	vadd.s32 v39, v20  }
0x143: {  	vm15 =	vge.s32 v19, v12;
	v41 =	vsel vm14, $0x1, v1;
	v20 =	vadd.s32 v40, v20  }
0x144: {  	vm4 =	vge.s32 v19, v13;
	v42 =	vsel vm15, $0x1, v1;
	v20 =	vadd.s32 v41, v20  }
0x145: {  	vm5 =	vge.s32 v19, v14;
	v43 =	vsel vm4, $0x1, v1;
	v20 =	vadd.s32 v42, v20  }
0x146: {  	vm6 =	vge.s32 v19, v15;
	v44 =	vsel vm5, $0x1, v1;
	v20 =	vadd.s32 v43, v20  }
0x147: {  	vm7 =	vge.s32 v19, v17;
	v45 =	vsel vm6, $0x1, v1;
	v20 =	vadd.s32 v44, v20  }
0x148: {  	v46 =	vsel vm7, $0x1, v1;
	vm8 =	vge.s32 v19, v18;
	v20 =	vadd.s32 v45, v20  }
0x149: {  	v47 =	vsel vm8, $0x1, v1;
	v20 =	vadd.s32 v46, v20  }
0x14a: {  	v20 =	vadd.s32 v47, v20;
	_ =	sdelay $0x4  }
0x14b: {  	v21 =	vld.idx.msk [tilespmem:v20+s29+$0x0], $0xffff;
	_ =	sdelay $0x4  }
0x14c: {  	v19 =	vsub.s32 v19, v21  }
0x14d: {  	vm9 =	vgt.s32 v19, $0x0  }
0x14e: {  	v19 =	vnsel vm9, $0x0, v19  }
0x14f: {  	v20 =	vshll.u32 v20, $0xB;
	v19 =	vmin.u32 v19, $0x7FF  }
0x150: {  	v19 =	vor.u32 v19, v20  }
0x151: {  	v48 =	vld [tilespmem:s6+$0xFFFFFFF0]  }
0x152: {  	v20 =	vld [tilespmem:s18+$0xFFFFFFF0];
	_ =	sdelay $0x2  }
0x153: {  	v19 =	vld.idx.msk [tilespmem:v19+s25+$0x0], $0xffff;
	_ =	sdelay $0x1  }
0x154: {  	v20 =	vmul.u32 v20, v48;
	_ =	sdelay $0x1  }
0x155: {  	vm10 =	vgt.s32 v20, $0x0  }
0x156: {  	v19 =	vnsel vm10, $0xFFFFFF9C, v19  }
0x157: {  	[tilespmem:s1+$0xFFFFFFF0] =	vst v19  }
0x158: {  	v19 =	vld [tilespmem:s19+$0x0];
	_ =	sdelay $0x4  }
0x159: {  	v19 =	vadd.s32 v19, v16  }
0x15a: {  	vm11 =	vge.s32 v19, v3;
	vm12 =	vge.s32 v19, v4  }
0x15b: {  	vm13 =	vge.s32 v19, v5;
	v20 =	vsel vm11, $0x1, v1;
	v49 =	vsel vm12, $0x1, v1  }
0x15c: {  	vm14 =	vge.s32 v19, v6;
	v50 =	vsel vm13, $0x1, v1;
	v20 =	vadd.s32 v49, v20  }
0x15d: {  	vm15 =	vge.s32 v19, v7;
	v51 =	vsel vm14, $0x1, v1;
	v20 =	vadd.s32 v50, v20  }
0x15e: {  	vm4 =	vge.s32 v19, v8;
	v52 =	vsel vm15, $0x1, v1;
	v20 =	vadd.s32 v51, v20  }
0x15f: {  	vm5 =	vge.s32 v19, v9;
	v53 =	vsel vm4, $0x1, v1;
	v20 =	vadd.s32 v52, v20  }
0x160: {  	vm6 =	vge.s32 v19, v10;
	v54 =	vsel vm5, $0x1, v1;
	v20 =	vadd.s32 v53, v20  }
0x161: {  	vm7 =	vge.s32 v19, v11;
	v55 =	vsel vm6, $0x1, v1;
	v20 =	vadd.s32 v54, v20  }
0x162: {  	vm8 =	vge.s32 v19, v12;
	v56 =	vsel vm7, $0x1, v1;
	v20 =	vadd.s32 v55, v20  }
0x163: {  	vm9 =	vge.s32 v19, v13;
	v57 =	vsel vm8, $0x1, v1;
	v20 =	vadd.s32 v56, v20  }
0x164: {  	vm10 =	vge.s32 v19, v14;
	v58 =	vsel vm9, $0x1, v1;
	v20 =	vadd.s32 v57, v20  }
0x165: {  	v59 =	vsel vm10, $0x1, v1;
	vm11 =	vge.s32 v19, v15;
	v20 =	vadd.s32 v58, v20  }
0x166: {  	vm12 =	vge.s32 v19, v17;
	v60 =	vsel vm11, $0x1, v1;
	v20 =	vadd.s32 v59, v20  }
0x167: {  	vm13 =	vge.s32 v19, v18;
	v61 =	vsel vm12, $0x1, v1;
	v20 =	vadd.s32 v60, v20  }
0x168: {  	v62 =	vsel vm13, $0x1, v1;
	v20 =	vadd.s32 v61, v20  }
0x169: {  	v20 =	vadd.s32 v62, v20;
	_ =	sdelay $0x4  }
0x16a: {  	v21 =	vld.idx.msk [tilespmem:v20+s29+$0x0], $0xffff;
	_ =	sdelay $0x4  }
0x16b: {  	v19 =	vsub.s32 v19, v21  }
0x16c: {  	vm14 =	vgt.s32 v19, $0x0  }
0x16d: {  	v19 =	vnsel vm14, $0x0, v19  }
0x16e: {  	v20 =	vshll.u32 v20, $0xB;
	v19 =	vmin.u32 v19, $0x7FF  }
0x16f: {  	v19 =	vor.u32 v19, v20  }
0x170: {  	v63 =	vld [tilespmem:s6+$0x0]  }
0x171: {  	v20 =	vld [tilespmem:s18+$0x0];
	_ =	sdelay $0x2  }
0x172: {  	s0 =	sadd.s32 $0x2, s0;
	v19 =	vld.idx.msk [tilespmem:v19+s25+$0x0], $0xffff  }
0x173: {  	p1 =	slt.u32 s0, $0x7E  }
.Ltmp5:
0x174: {  	v20 =	vmul.u32 v20, v63;
	(pc) =	sbr.rel @p1 .LBB2_7-.Ltmp5, $4  }
0x175: {  	_ = 	snop  }
0x176: {  	vm15 =	vgt.s32 v20, $0x0  }
0x177: {  	s6 =	sadd.s32 $0x20, s6;
	v19 =	vnsel vm15, $0xFFFFFF9C, v19  }
0x178: {  	s19 =	sadd.s32 $0x20, s19;
	s18 =	sadd.s32 $0x20, s18;
	[tilespmem:s1+$0x0] =	vst v19;
	s1 =	sadd.s32 $0x20, s1  }
0x179: {  	[hbm4b:s13+s16] =	stream.strided.scatter [tilespmem:s2], [sflag:$0x2], $0x800, s17, s16, $0x38;
	[tilespmem:$0xC980] =	vst v63  }
0x17a: {  	_ =	swait.ge [sflag:s23], $0x800  }
0x17b: {  	[sflag:s23] =	ssyncset.done $0x0  }
.Ltmp6:
0x17c: {  	s0 =	simm.s32 $0x2000;
	[sflag:s23] =	ssyncadd.s32 $0xFFFFF800;
	(pc) =	sbr.rel .LBB2_10-.Ltmp6, $4  }
0x17d: {  	[hbm4b:s14+s16] =	stream.strided.scatter [tilespmem:s0], [sflag:$0x2], $0x800, s17, s16, $0x38;
	[tilespmem:$0xC980] =	vst v63  }
0x17e: {  	_ =	swait.ge [sflag:s23], $0x800  }
0x17f: {  	[sflag:s23] =	ssyncset.done $0x0  }
0x180: {  	[sflag:s23] =	ssyncadd.s32 $0xFFFFF800  }
.LBB2_11:
0x181: {  	_ =	sfence.sel $0x180000  }
0x182: {  	[bflag:$0x0] =	sbarrier.arrive $0xFFFF  }
0x183: {  	_ =	strace $0x90000047  }
0x184: {  	s0 =	stileid.u32;
	[bflag:$0x2] =	sbarrier.arrive $0xFFFF  }
0x185: {  	p0 =	sne.s32 s0, $0x0;
	s0 =	rddreg [dreg:$0x3]  }
0x186: {  	s0 =	sadd.s32 @!p0 $0x100000, s0  }
0x187: {  	[sflag:s0] =	ssyncadd.tile.s32 @!p0 $0x1;
	_ =	shalt  }
.Lfunc_end2:
_tile_overlayer_lowered:
.L_overlay_start_2:
0x188: {  	(tag) =	ssettag $0x2  }
0x189: {  	s0 =	rddreg [dreg:$0x0];
	s2 =	stileid.u32  }
0x18a: {  	s1 =	rddreg [dreg:$0x1];
	p0 =	sne.s32 s2, $0x0  }
0x18b: {  	s3 =	rddreg [dreg:$0x2];
	[bflag:$0x3] =	sbarrier.arrive $0xFFFF;
	s2 =	simm.s32 @!p0 $0x1C02  }
0x18c: {  	[timem:s3], [sflag:s2] =	dma.local @!p0 [hbm:s0], s1  }
0x18d: {  	s0 =	simm.s32 @!p0 $0x2  }
0x18e: {  	_ =	swait.ge @!p0 [sflag:s0], s1  }
0x18f: {  	s1 =	ssub.s32 @!p0 $0x0, s1;
	[sflag:s0] =	ssyncset.done @!p0 $0x0  }
0x190: {  	[sflag:s0] =	ssyncadd.s32 @!p0 s1  }
0x191: {  	[bflag:$0x3] =	sbarrier.arrive $0xFFFF  }
0x192: {  	_ =	shalt  }

</sc_bundles>
